<compile_context>
chip_gen: v7x
topology: tpu7x:2x2x1
jax: 0.10.2.dev20260603
libtpu: 0.0.44.dev20260713+nightly
codegen_flags: <defaults>
</compile_context>

<pallas_src>
import functools

import jax
import jax.numpy as jnp
from jax import lax
from jax.experimental import pallas as pl
from jax.experimental.pallas import tpu as pltpu
from jax.experimental.pallas import tpu_sc as plsc

_N = 10000
_NPAD = 10240
_E = 320000
_NC = 2
_NS = 16
_NW = _NC * _NS
_CH = 128
_KA = 104
_KB = 56
_TOT = _NS * (_KA + _KB)
_G = 8
_EPAD = _TOT * _CH
_K = _KA + _KB
_RPT = _NPAD // _NS
_D = 128
_DOUT = 64
_BLK = 512
_GRID = _NPAD // _BLK


def _mesh():
    return plsc.VectorSubcoreMesh(core_axis_name="c", subcore_axis_name="s",
                                  num_cores=_NC, num_subcores=_NS)


_KMAX = max(_KA, _KB)


def _make_agg(d):
    out_type = [jax.ShapeDtypeStruct((_NC, _NPAD, d), jnp.float32)]
    scratch = [
        pltpu.VMEM((_KMAX, _CH), jnp.int32),
        pltpu.VMEM((_KMAX, _CH), jnp.int32),
        pltpu.VMEM((_CH, d), jnp.float32),
        pltpu.VMEM_SHARED((_NPAD, d), jnp.float32),
        pltpu.SemaphoreType.DMA,
    ]

    def body(h_hbm, src_hbm, dst_hbm, zacc_hbm, out_hbm,
             src_v, dst_v, rows_v, acc_s, sem_g):
        c = lax.axis_index("c")
        s = lax.axis_index("s")
        w = c * _NS + s
        r0 = s * _RPT
        pltpu.sync_copy(src_hbm.at[w], src_v)
        pltpu.sync_copy(dst_hbm.at[w], dst_v)
        pltpu.sync_copy(zacc_hbm, acc_s.at[pl.ds(r0, _RPT)])
        plsc.subcore_barrier()

        def step(j, carry):
            pltpu.async_copy(h_hbm.at[src_v.at[j]], rows_v,
                             sem_g).wait()
            pltpu.sync_copy(rows_v, acc_s.at[dst_v.at[j]], add=True)
            return carry

        klo = min(_KA, _KB)
        lax.fori_loop(0, klo, step, 0)

        @pl.when(c == (0 if _KA >= _KB else 1))
        def _tail():
            lax.fori_loop(0, max(_KA, _KB) - klo,
                          lambda j, cr: step(j + klo, cr), 0)

        plsc.subcore_barrier()
        pltpu.sync_copy(acc_s.at[pl.ds(r0, _RPT)],
                        out_hbm.at[c, pl.ds(r0, _RPT)])

    return pl.kernel(body, out_type=out_type, mesh=_mesh(),
                     scratch_types=scratch)


def _make_deg():
    out_type = [jax.ShapeDtypeStruct((_NPAD, _D), jnp.float32)] * 2
    scratch = [
        pltpu.VMEM((2, _KMAX, _CH), jnp.int32),
        pltpu.VMEM((_CH, _D), jnp.float32),
        pltpu.VMEM_SHARED((_NPAD, _D), jnp.float32),
        pltpu.SemaphoreType.DMA,
    ]

    def body(src_hbm, dst_hbm, zacc_hbm, ones_hbm, dego_hbm, degi_hbm,
             idx_v, ones_v, deg_s, sem):
        c = lax.axis_index("c")
        s = lax.axis_index("s")
        r0 = s * _RPT

        @pl.when(c == 0)
        def _stage_src():
            pltpu.sync_copy(src_hbm.at[s], idx_v.at[0])
            pltpu.sync_copy(src_hbm.at[s + _NS], idx_v.at[1])

        @pl.when(c == 1)
        def _stage_dst():
            pltpu.sync_copy(dst_hbm.at[s], idx_v.at[0])
            pltpu.sync_copy(dst_hbm.at[s + _NS], idx_v.at[1])

        pltpu.sync_copy(ones_hbm, ones_v)
        pltpu.sync_copy(zacc_hbm, deg_s.at[pl.ds(r0, _RPT)])
        plsc.subcore_barrier()

        def step(j, carry):
            a = jnp.where(j >= _KA, 1, 0)
            b = jnp.where(j >= _KA, j - _KA, j)

            @pl.when(j >= 8)
            def _drain():
                pltpu.make_async_copy(ones_v, deg_s.at[idx_v.at[a, b]],
                                      sem).wait()
            pltpu.async_copy(ones_v, deg_s.at[idx_v.at[a, b]], sem,
                             add=True)
            return carry

        lax.fori_loop(0, _KA + _KB, step, 0)
        for _ in range(8):
            pltpu.make_async_copy(ones_v, deg_s.at[idx_v.at[0, 0]],
                                  sem).wait()
        plsc.subcore_barrier()

        @pl.when(c == 0)
        def _out_src():
            pltpu.sync_copy(deg_s.at[pl.ds(r0, _RPT)],
                            dego_hbm.at[pl.ds(r0, _RPT)])

        @pl.when(c == 1)
        def _out_dst():
            pltpu.sync_copy(deg_s.at[pl.ds(r0, _RPT)],
                            degi_hbm.at[pl.ds(r0, _RPT)])

    return pl.kernel(body, out_type=out_type, mesh=_mesh(),
                     scratch_types=scratch)


def _spec_rows(d):
    return pl.BlockSpec((_BLK, d), lambda i: (i, 0))


def _spec_part(p, d):
    return pl.BlockSpec((1, _BLK, d), lambda i, _p=p: (_p, i, 0))


def _spec_full(r, c):
    return pl.BlockSpec((r, c), lambda i: (0, 0))


def _rsq(d_ref):
    return lax.rsqrt(jnp.maximum(d_ref[:, :1], 1.0))


def _tc_mm(x, w):
    def body(x_ref, w_ref, o_ref):
        o_ref[...] = jnp.dot(x_ref[...], w_ref[...],
                             preferred_element_type=jnp.float32)
    return pl.pallas_call(
        body, grid=(_GRID,),
        in_specs=[_spec_rows(_D), _spec_full(_D, _D)],
        out_specs=_spec_rows(_D),
        out_shape=jax.ShapeDtypeStruct((_NPAD, _D), jnp.float32),
    )(x, w)


def _tc_l2(p1, dego, wh):
    def body(pa, pb, dg, w_ref, o_ref):
        x2 = jnp.maximum(pa[0] + pb[0], 0.0) * _rsq(dg)
        o_ref[...] = jnp.dot(x2, w_ref[...],
                             preferred_element_type=jnp.float32)
    return pl.pallas_call(
        body, grid=(_GRID,),
        in_specs=[_spec_part(0, _D), _spec_part(1, _D),
                  _spec_rows(_D), _spec_full(_D, _D)],
        out_specs=_spec_rows(_D),
        out_shape=jax.ShapeDtypeStruct((_NPAD, _D), jnp.float32),
    )(p1, p1, dego, wh)


def _tc_l3(p2, dego, degi, w2):
    def body(pa, pb, do_, di_, w_ref, o_ref):
        x3 = jnp.maximum((pa[0] + pb[0]) * _rsq(di_), 0.0)
        o_ref[...] = jnp.dot(x3 * _rsq(do_), w_ref[...],
                             preferred_element_type=jnp.float32)
    return pl.pallas_call(
        body, grid=(_GRID,),
        in_specs=[_spec_part(0, _D), _spec_part(1, _D),
                  _spec_rows(_D), _spec_rows(_D),
                  _spec_full(_D, _D)],
        out_specs=_spec_rows(_D),
        out_shape=jax.ShapeDtypeStruct((_NPAD, _D), jnp.float32),
    )(p2, p2, dego, degi, w2)


def _tc_l4(p3, degi, b2):
    def body(pa, pb, di_, b_ref, o_ref):
        y = (pa[0, :, :_DOUT] + pb[0, :, :_DOUT]) * _rsq(di_) + b_ref[...]
        m = jnp.max(y, axis=1, keepdims=True)
        z = y - m
        o_ref[...] = z - jnp.log(jnp.sum(jnp.exp(z), axis=1, keepdims=True))
    return pl.pallas_call(
        body, grid=(_GRID,),
        in_specs=[_spec_part(0, _D), _spec_part(1, _D),
                  _spec_rows(_D), _spec_full(1, _DOUT)],
        out_specs=_spec_rows(_DOUT),
        out_shape=jax.ShapeDtypeStruct((_NPAD, _DOUT), jnp.float32),
    )(p3, p3, degi, b2)


_deg = _make_deg()
_agg128 = _make_agg(_D)


def kernel(features, edge_index, W1, Wh, W2, b2):
    f32 = jnp.float32
    x = jnp.zeros((_NPAD, _D), f32).at[:_N].set(features)
    pad = jnp.full((2, _EPAD - _E), _N, jnp.int32)
    ei = jnp.concatenate([edge_index.astype(jnp.int32), pad], axis=1)

    def _layout(flat):
        c0 = flat[:_NS * _KA].reshape(_NS, _KA, _CH)
        c1 = flat[_NS * _KA:].reshape(_NS, _KB, _CH)
        c0 = jnp.pad(c0, ((0, 0), (0, _KMAX - _KA), (0, 0)),
                     constant_values=_N)
        c1 = jnp.pad(c1, ((0, 0), (0, _KMAX - _KB), (0, 0)),
                     constant_values=_N)
        return jnp.concatenate([c0, c1], axis=0)

    src_f = ei[0].reshape(_TOT, _CH)
    dst_f = ei[1].reshape(_TOT, _CH)
    src = _layout(src_f)
    dst = _layout(dst_f)
    zacc = jnp.zeros((_RPT, _D), f32)
    ones = jnp.ones((_CH, _D), f32)
    w2p = jnp.zeros((_D, _D), f32).at[:, :_DOUT].set(W2)

    h1 = _tc_mm(x, W1)
    dego, degi = _deg(src, dst, zacc, ones)
    (p1,) = _agg128(h1, src, dst, zacc)
    h2 = _tc_l2(p1, dego, Wh)
    (p2,) = _agg128(h2, src, dst, zacc)
    h3 = _tc_l3(p2, dego, degi, w2p)
    (p3,) = _agg128(h3, src, dst, zacc)
    y = _tc_l4(p3, degi, b2.reshape(1, _DOUT))
    return y[:_N]

# --- scband reference (transcript-rebuilt; emitter-appended) ---
"""Pipeline reference for scband-gcn-11836929867924 (READ-ONLY COPY).

The authoritative reference and input builder live on the scoring server;
editing this copy changes nothing except your own understanding.
"""

import jax, jax.numpy as jnp
import numpy as np

N = 10000
E = 320000
D_IN = 128
D_HID = 128
D_OUT = 64


def setup_inputs(seed: int = 0) -> dict:
    key = jax.random.key(seed)
    ks = jax.random.split(key, 6)
    features = jax.random.normal(ks[0], (N, D_IN), dtype=jnp.float32)
    edge_index = jax.random.randint(ks[1], (2, E), 0, N, dtype=jnp.int32)
    W1 = jax.random.normal(ks[2], (D_IN, D_HID), dtype=jnp.float32) * (1.0 / np.sqrt(D_IN))
    Wh = jax.random.normal(ks[3], (D_HID, D_HID), dtype=jnp.float32) * (1.0 / np.sqrt(D_HID))
    W2 = jax.random.normal(ks[4], (D_HID, D_OUT), dtype=jnp.float32) * (1.0 / np.sqrt(D_HID))
    b2 = jnp.zeros((D_OUT,), dtype=jnp.float32)
    return {"features": features, "edge_index": edge_index, "W1": W1, "Wh": Wh, "W2": W2, "b2": b2}


def _graph_conv(x, W, src, dst, norm, bias=None):
    # DGL GraphConv semantics: h = D_in^{-1/2} A D_out^{-1/2} (x W)  (norm='both')
    # or h = A (x W) (norm='none'); degrees clamped to min 1.
    h = x @ W
    ones = jnp.ones((src.shape[0],), dtype=x.dtype)
    if norm == 'both':
        deg_out = jnp.clip(jax.ops.segment_sum(ones, src, num_segments=N), 1.0, None)
        h = h * (deg_out ** -0.5)[:, None]
    m = jnp.take(h, src, axis=0)
    agg = jax.ops.segment_sum(m, dst, num_segments=N)
    if norm == 'both':
        deg_in = jnp.clip(jax.ops.segment_sum(ones, dst, num_segments=N), 1.0, None)
        agg = agg * (deg_in ** -0.5)[:, None]
    if bias is not None:
        agg = agg + bias
    return agg


def reference(features, edge_index, W1, Wh, W2, b2):
    src = edge_index[0]
    dst = edge_index[1]
    # conv1: norm='none', no bias
    h = jax.nn.relu(_graph_conv(features, W1, src, dst, 'none'))
    # dropout p=0.0 -> identity
    # hidden layer (num_layers - 2 = 1): norm='both', no bias
    h = jax.nn.relu(_graph_conv(h, Wh, src, dst, 'both'))
    # conv2: norm='both', with bias
    h = _graph_conv(h, W2, src, dst, 'both', bias=b2)
    return jax.nn.log_softmax(h, axis=1)

if __name__ == "__main__":
    import jax
    _d = setup_inputs()
    print(jax.jit(kernel)(*tuple(_d.values())))

</pallas_src>

<mosaic_0001>
#map = affine_map<(d0, d1) -> (0, 0, 0)>
#map1 = affine_map<(d0, d1) -> (0, 0)>
module attributes {stable_mosaic.version = 14 : i64} {
  func.func @body(%arg0: i32, %arg1: i32, %arg2: memref<32x104x128xi32, #tpu.memory_space<hbm>>, %arg3: memref<32x104x128xi32, #tpu.memory_space<hbm>>, %arg4: memref<640x128xf32, #tpu.memory_space<hbm>>, %arg5: memref<128x128xf32, #tpu.memory_space<hbm>>, %arg6: memref<10240x128xf32, #tpu.memory_space<hbm>>, %arg7: memref<10240x128xf32, #tpu.memory_space<hbm>>, %arg8: memref<2x104x128xi32, #tpu.memory_space<vmem>>, %arg9: memref<128x128xf32, #tpu.memory_space<vmem>>, %arg10: memref<10240x128xf32, #tpu.memory_space<vmem_shared>>, %arg11: memref<!tpu.dma_semaphore, #tpu.memory_space<semaphore_mem>>) attributes {dimension_semantics = [#tpu.dimension_semantics<core_parallel>, #tpu.dimension_semantics<subcore_parallel>], iteration_bounds = array<i64: 2, 16>, scalar_prefetch = 0 : i64, scratch_operands = 4 : i64, tpu.core_type = #tpu.core_type<sc_vector_subcore>, window_params = [{transform_indices = #map}, {transform_indices = #map}, {transform_indices = #map1}, {transform_indices = #map1}, {transform_indices = #map1}, {transform_indices = #map1}]} {
    %mul3A = arith.constant 640 : i32
    %mul3A_0 = arith.muli %arg1, %mul3A : i32
    %eq3A = arith.constant 0 : i32
    %eq3A_1 = arith.cmpi eq, %arg0, %eq3A : i32
    %convert_element_type3A = arith.extui %eq3A_1 : i1 to i32
    %cond3A = arith.constant 0 : i32
    %cond3A_2 = arith.cmpi ne, %convert_element_type3A, %cond3A : i32
    scf.if %cond3A_2 {
      %run_scoped3A = arith.constant 0 : i32
      "tpu.region"() ({
        %run_scoped3A_89 = tpu.sem_alloc : memref<!tpu.dma_semaphore, #tpu.memory_space<semaphore_mem>>
        %dma_start3A = arith.constant 0 : i32
        %dma_start3A_90 = arith.constant 0 : i32
        %dma_start3A_91 = tpu.memref_slice %arg8[%run_scoped3A, %dma_start3A, %dma_start3A_90] : memref<2x104x128xi32, #tpu.memory_space<vmem>> -> memref<1x104x128xi32, #tpu.memory_space<vmem>>
        %dma_start3A_92 = tpu.memref_squeeze %dma_start3A_91 : memref<1x104x128xi32, #tpu.memory_space<vmem>> -> memref<104x128xi32, #tpu.memory_space<vmem>>
        %dma_start3A_93 = arith.constant 0 : i32
        %dma_start3A_94 = arith.constant 0 : i32
        %dma_start3A_95 = tpu.memref_slice %arg2[%arg1, %dma_start3A_93, %dma_start3A_94] : memref<32x104x128xi32, #tpu.memory_space<hbm>> -> memref<1x104x128xi32, #tpu.memory_space<hbm>>
        %dma_start3A_96 = tpu.memref_squeeze %dma_start3A_95 : memref<1x104x128xi32, #tpu.memory_space<hbm>> -> memref<104x128xi32, #tpu.memory_space<hbm>>
        %dma_start3A_97 = arith.constant 0 : i32
        %dma_start3A_98 = arith.constant 0 : i32
        %dma_start3A_99 = tpu.memref_slice %arg8[%run_scoped3A, %dma_start3A_97, %dma_start3A_98] : memref<2x104x128xi32, #tpu.memory_space<vmem>> -> memref<1x104x128xi32, #tpu.memory_space<vmem>>
        %dma_start3A_100 = tpu.memref_squeeze %dma_start3A_99 : memref<1x104x128xi32, #tpu.memory_space<vmem>> -> memref<104x128xi32, #tpu.memory_space<vmem>>
        %dma_start3A_101 = arith.constant 0 : i32
        %dma_start3A_102 = arith.constant 0 : i32
        %dma_start3A_103 = tpu.memref_slice %arg2[%arg1, %dma_start3A_101, %dma_start3A_102] : memref<32x104x128xi32, #tpu.memory_space<hbm>> -> memref<1x104x128xi32, #tpu.memory_space<hbm>>
        %dma_start3A_104 = tpu.memref_squeeze %dma_start3A_103 : memref<1x104x128xi32, #tpu.memory_space<hbm>> -> memref<104x128xi32, #tpu.memory_space<hbm>>
        tpu.enqueue_dma source(%dma_start3A_104 : memref<104x128xi32, #tpu.memory_space<hbm>>) target(%dma_start3A_100 : memref<104x128xi32, #tpu.memory_space<vmem>>) target_semaphore(%run_scoped3A_89 : memref<!tpu.dma_semaphore, #tpu.memory_space<semaphore_mem>>)
        %dma_wait3A_105 = arith.constant 0 : i32
        %dma_wait3A_106 = arith.constant 0 : i32
        %dma_wait3A_107 = tpu.memref_slice %arg8[%run_scoped3A, %dma_wait3A_105, %dma_wait3A_106] : memref<2x104x128xi32, #tpu.memory_space<vmem>> -> memref<1x104x128xi32, #tpu.memory_space<vmem>>
        %dma_wait3A_108 = tpu.memref_squeeze %dma_wait3A_107 : memref<1x104x128xi32, #tpu.memory_space<vmem>> -> memref<104x128xi32, #tpu.memory_space<vmem>>
        %dma_wait3A_109 = arith.constant 0 : i32
        %dma_wait3A_110 = arith.constant 0 : i32
        %dma_wait3A_111 = tpu.memref_slice %arg2[%arg1, %dma_wait3A_109, %dma_wait3A_110] : memref<32x104x128xi32, #tpu.memory_space<hbm>> -> memref<1x104x128xi32, #tpu.memory_space<hbm>>
        %dma_wait3A_112 = tpu.memref_squeeze %dma_wait3A_111 : memref<1x104x128xi32, #tpu.memory_space<hbm>> -> memref<104x128xi32, #tpu.memory_space<hbm>>
        %dma_wait3A_113 = arith.constant 0 : i32
        %dma_wait3A_114 = arith.constant 0 : i32
        %dma_wait3A_115 = tpu.memref_slice %arg8[%run_scoped3A, %dma_wait3A_113, %dma_wait3A_114] : memref<2x104x128xi32, #tpu.memory_space<vmem>> -> memref<1x104x128xi32, #tpu.memory_space<vmem>>
        %dma_wait3A_116 = tpu.memref_squeeze %dma_wait3A_115 : memref<1x104x128xi32, #tpu.memory_space<vmem>> -> memref<104x128xi32, #tpu.memory_space<vmem>>
        %dma_wait3A_117 = arith.constant 0 : i32
        %dma_wait3A_118 = arith.constant 0 : i32
        %dma_wait3A_119 = tpu.memref_slice %arg2[%arg1, %dma_wait3A_117, %dma_wait3A_118] : memref<32x104x128xi32, #tpu.memory_space<hbm>> -> memref<1x104x128xi32, #tpu.memory_space<hbm>>
        %dma_wait3A_120 = tpu.memref_squeeze %dma_wait3A_119 : memref<1x104x128xi32, #tpu.memory_space<hbm>> -> memref<104x128xi32, #tpu.memory_space<hbm>>
        tpu.wait_dma2 semaphore(%run_scoped3A_89 : memref<!tpu.dma_semaphore, #tpu.memory_space<semaphore_mem>>) src(%dma_wait3A_120 : memref<104x128xi32, #tpu.memory_space<hbm>>) dst(%dma_wait3A_116 : memref<104x128xi32, #tpu.memory_space<vmem>>)
        tpu.yield
      }) : () -> ()
      %add3A = arith.constant 16 : i32
      %add3A_87 = arith.addi %arg1, %add3A : i32
      %run_scoped3A_88 = arith.constant 1 : i32
      "tpu.region"() ({
        %run_scoped3A_89 = tpu.sem_alloc : memref<!tpu.dma_semaphore, #tpu.memory_space<semaphore_mem>>
        %dma_start3A = arith.constant 0 : i32
        %dma_start3A_90 = arith.constant 0 : i32
        %dma_start3A_91 = tpu.memref_slice %arg8[%run_scoped3A_88, %dma_start3A, %dma_start3A_90] : memref<2x104x128xi32, #tpu.memory_space<vmem>> -> memref<1x104x128xi32, #tpu.memory_space<vmem>>
        %dma_start3A_92 = tpu.memref_squeeze %dma_start3A_91 : memref<1x104x128xi32, #tpu.memory_space<vmem>> -> memref<104x128xi32, #tpu.memory_space<vmem>>
        %dma_start3A_93 = arith.constant 0 : i32
        %dma_start3A_94 = arith.constant 0 : i32
        %dma_start3A_95 = tpu.memref_slice %arg2[%add3A_87, %dma_start3A_93, %dma_start3A_94] : memref<32x104x128xi32, #tpu.memory_space<hbm>> -> memref<1x104x128xi32, #tpu.memory_space<hbm>>
        %dma_start3A_96 = tpu.memref_squeeze %dma_start3A_95 : memref<1x104x128xi32, #tpu.memory_space<hbm>> -> memref<104x128xi32, #tpu.memory_space<hbm>>
        %dma_start3A_97 = arith.constant 0 : i32
        %dma_start3A_98 = arith.constant 0 : i32
        %dma_start3A_99 = tpu.memref_slice %arg8[%run_scoped3A_88, %dma_start3A_97, %dma_start3A_98] : memref<2x104x128xi32, #tpu.memory_space<vmem>> -> memref<1x104x128xi32, #tpu.memory_space<vmem>>
        %dma_start3A_100 = tpu.memref_squeeze %dma_start3A_99 : memref<1x104x128xi32, #tpu.memory_space<vmem>> -> memref<104x128xi32, #tpu.memory_space<vmem>>
        %dma_start3A_101 = arith.constant 0 : i32
        %dma_start3A_102 = arith.constant 0 : i32
        %dma_start3A_103 = tpu.memref_slice %arg2[%add3A_87, %dma_start3A_101, %dma_start3A_102] : memref<32x104x128xi32, #tpu.memory_space<hbm>> -> memref<1x104x128xi32, #tpu.memory_space<hbm>>
        %dma_start3A_104 = tpu.memref_squeeze %dma_start3A_103 : memref<1x104x128xi32, #tpu.memory_space<hbm>> -> memref<104x128xi32, #tpu.memory_space<hbm>>
        tpu.enqueue_dma source(%dma_start3A_104 : memref<104x128xi32, #tpu.memory_space<hbm>>) target(%dma_start3A_100 : memref<104x128xi32, #tpu.memory_space<vmem>>) target_semaphore(%run_scoped3A_89 : memref<!tpu.dma_semaphore, #tpu.memory_space<semaphore_mem>>)
        %dma_wait3A_105 = arith.constant 0 : i32
        %dma_wait3A_106 = arith.constant 0 : i32
        %dma_wait3A_107 = tpu.memref_slice %arg8[%run_scoped3A_88, %dma_wait3A_105, %dma_wait3A_106] : memref<2x104x128xi32, #tpu.memory_space<vmem>> -> memref<1x104x128xi32, #tpu.memory_space<vmem>>
        %dma_wait3A_108 = tpu.memref_squeeze %dma_wait3A_107 : memref<1x104x128xi32, #tpu.memory_space<vmem>> -> memref<104x128xi32, #tpu.memory_space<vmem>>
        %dma_wait3A_109 = arith.constant 0 : i32
        %dma_wait3A_110 = arith.constant 0 : i32
        %dma_wait3A_111 = tpu.memref_slice %arg2[%add3A_87, %dma_wait3A_109, %dma_wait3A_110] : memref<32x104x128xi32, #tpu.memory_space<hbm>> -> memref<1x104x128xi32, #tpu.memory_space<hbm>>
        %dma_wait3A_112 = tpu.memref_squeeze %dma_wait3A_111 : memref<1x104x128xi32, #tpu.memory_space<hbm>> -> memref<104x128xi32, #tpu.memory_space<hbm>>
        %dma_wait3A_113 = arith.constant 0 : i32
        %dma_wait3A_114 = arith.constant 0 : i32
        %dma_wait3A_115 = tpu.memref_slice %arg8[%run_scoped3A_88, %dma_wait3A_113, %dma_wait3A_114] : memref<2x104x128xi32, #tpu.memory_space<vmem>> -> memref<1x104x128xi32, #tpu.memory_space<vmem>>
        %dma_wait3A_116 = tpu.memref_squeeze %dma_wait3A_115 : memref<1x104x128xi32, #tpu.memory_space<vmem>> -> memref<104x128xi32, #tpu.memory_space<vmem>>
        %dma_wait3A_117 = arith.constant 0 : i32
        %dma_wait3A_118 = arith.constant 0 : i32
        %dma_wait3A_119 = tpu.memref_slice %arg2[%add3A_87, %dma_wait3A_117, %dma_wait3A_118] : memref<32x104x128xi32, #tpu.memory_space<hbm>> -> memref<1x104x128xi32, #tpu.memory_space<hbm>>
        %dma_wait3A_120 = tpu.memref_squeeze %dma_wait3A_119 : memref<1x104x128xi32, #tpu.memory_space<hbm>> -> memref<104x128xi32, #tpu.memory_space<hbm>>
        tpu.wait_dma2 semaphore(%run_scoped3A_89 : memref<!tpu.dma_semaphore, #tpu.memory_space<semaphore_mem>>) src(%dma_wait3A_120 : memref<104x128xi32, #tpu.memory_space<hbm>>) dst(%dma_wait3A_116 : memref<104x128xi32, #tpu.memory_space<vmem>>)
        tpu.yield
      }) : () -> ()
    } else {
    }
    %eq3A_3 = arith.constant 1 : i32
    %eq3A_4 = arith.cmpi eq, %arg0, %eq3A_3 : i32
    %convert_element_type3A_5 = arith.extui %eq3A_4 : i1 to i32
    %cond3A_6 = arith.constant 0 : i32
    %cond3A_7 = arith.cmpi ne, %convert_element_type3A_5, %cond3A_6 : i32
    scf.if %cond3A_7 {
      %run_scoped3A = arith.constant 0 : i32
      "tpu.region"() ({
        %run_scoped3A_89 = tpu.sem_alloc : memref<!tpu.dma_semaphore, #tpu.memory_space<semaphore_mem>>
        %dma_start3A = arith.constant 0 : i32
        %dma_start3A_90 = arith.constant 0 : i32
        %dma_start3A_91 = tpu.memref_slice %arg8[%run_scoped3A, %dma_start3A, %dma_start3A_90] : memref<2x104x128xi32, #tpu.memory_space<vmem>> -> memref<1x104x128xi32, #tpu.memory_space<vmem>>
        %dma_start3A_92 = tpu.memref_squeeze %dma_start3A_91 : memref<1x104x128xi32, #tpu.memory_space<vmem>> -> memref<104x128xi32, #tpu.memory_space<vmem>>
        %dma_start3A_93 = arith.constant 0 : i32
        %dma_start3A_94 = arith.constant 0 : i32
        %dma_start3A_95 = tpu.memref_slice %arg3[%arg1, %dma_start3A_93, %dma_start3A_94] : memref<32x104x128xi32, #tpu.memory_space<hbm>> -> memref<1x104x128xi32, #tpu.memory_space<hbm>>
        %dma_start3A_96 = tpu.memref_squeeze %dma_start3A_95 : memref<1x104x128xi32, #tpu.memory_space<hbm>> -> memref<104x128xi32, #tpu.memory_space<hbm>>
        %dma_start3A_97 = arith.constant 0 : i32
        %dma_start3A_98 = arith.constant 0 : i32
        %dma_start3A_99 = tpu.memref_slice %arg8[%run_scoped3A, %dma_start3A_97, %dma_start3A_98] : memref<2x104x128xi32, #tpu.memory_space<vmem>> -> memref<1x104x128xi32, #tpu.memory_space<vmem>>
        %dma_start3A_100 = tpu.memref_squeeze %dma_start3A_99 : memref<1x104x128xi32, #tpu.memory_space<vmem>> -> memref<104x128xi32, #tpu.memory_space<vmem>>
        %dma_start3A_101 = arith.constant 0 : i32
        %dma_start3A_102 = arith.constant 0 : i32
        %dma_start3A_103 = tpu.memref_slice %arg3[%arg1, %dma_start3A_101, %dma_start3A_102] : memref<32x104x128xi32, #tpu.memory_space<hbm>> -> memref<1x104x128xi32, #tpu.memory_space<hbm>>
        %dma_start3A_104 = tpu.memref_squeeze %dma_start3A_103 : memref<1x104x128xi32, #tpu.memory_space<hbm>> -> memref<104x128xi32, #tpu.memory_space<hbm>>
        tpu.enqueue_dma source(%dma_start3A_104 : memref<104x128xi32, #tpu.memory_space<hbm>>) target(%dma_start3A_100 : memref<104x128xi32, #tpu.memory_space<vmem>>) target_semaphore(%run_scoped3A_89 : memref<!tpu.dma_semaphore, #tpu.memory_space<semaphore_mem>>)
        %dma_wait3A_105 = arith.constant 0 : i32
        %dma_wait3A_106 = arith.constant 0 : i32
        %dma_wait3A_107 = tpu.memref_slice %arg8[%run_scoped3A, %dma_wait3A_105, %dma_wait3A_106] : memref<2x104x128xi32, #tpu.memory_space<vmem>> -> memref<1x104x128xi32, #tpu.memory_space<vmem>>
        %dma_wait3A_108 = tpu.memref_squeeze %dma_wait3A_107 : memref<1x104x128xi32, #tpu.memory_space<vmem>> -> memref<104x128xi32, #tpu.memory_space<vmem>>
        %dma_wait3A_109 = arith.constant 0 : i32
        %dma_wait3A_110 = arith.constant 0 : i32
        %dma_wait3A_111 = tpu.memref_slice %arg3[%arg1, %dma_wait3A_109, %dma_wait3A_110] : memref<32x104x128xi32, #tpu.memory_space<hbm>> -> memref<1x104x128xi32, #tpu.memory_space<hbm>>
        %dma_wait3A_112 = tpu.memref_squeeze %dma_wait3A_111 : memref<1x104x128xi32, #tpu.memory_space<hbm>> -> memref<104x128xi32, #tpu.memory_space<hbm>>
        %dma_wait3A_113 = arith.constant 0 : i32
        %dma_wait3A_114 = arith.constant 0 : i32
        %dma_wait3A_115 = tpu.memref_slice %arg8[%run_scoped3A, %dma_wait3A_113, %dma_wait3A_114] : memref<2x104x128xi32, #tpu.memory_space<vmem>> -> memref<1x104x128xi32, #tpu.memory_space<vmem>>
        %dma_wait3A_116 = tpu.memref_squeeze %dma_wait3A_115 : memref<1x104x128xi32, #tpu.memory_space<vmem>> -> memref<104x128xi32, #tpu.memory_space<vmem>>
        %dma_wait3A_117 = arith.constant 0 : i32
        %dma_wait3A_118 = arith.constant 0 : i32
        %dma_wait3A_119 = tpu.memref_slice %arg3[%arg1, %dma_wait3A_117, %dma_wait3A_118] : memref<32x104x128xi32, #tpu.memory_space<hbm>> -> memref<1x104x128xi32, #tpu.memory_space<hbm>>
        %dma_wait3A_120 = tpu.memref_squeeze %dma_wait3A_119 : memref<1x104x128xi32, #tpu.memory_space<hbm>> -> memref<104x128xi32, #tpu.memory_space<hbm>>
        tpu.wait_dma2 semaphore(%run_scoped3A_89 : memref<!tpu.dma_semaphore, #tpu.memory_space<semaphore_mem>>) src(%dma_wait3A_120 : memref<104x128xi32, #tpu.memory_space<hbm>>) dst(%dma_wait3A_116 : memref<104x128xi32, #tpu.memory_space<vmem>>)
        tpu.yield
      }) : () -> ()
      %add3A = arith.constant 16 : i32
      %add3A_87 = arith.addi %arg1, %add3A : i32
      %run_scoped3A_88 = arith.constant 1 : i32
      "tpu.region"() ({
        %run_scoped3A_89 = tpu.sem_alloc : memref<!tpu.dma_semaphore, #tpu.memory_space<semaphore_mem>>
        %dma_start3A = arith.constant 0 : i32
        %dma_start3A_90 = arith.constant 0 : i32
        %dma_start3A_91 = tpu.memref_slice %arg8[%run_scoped3A_88, %dma_start3A, %dma_start3A_90] : memref<2x104x128xi32, #tpu.memory_space<vmem>> -> memref<1x104x128xi32, #tpu.memory_space<vmem>>
        %dma_start3A_92 = tpu.memref_squeeze %dma_start3A_91 : memref<1x104x128xi32, #tpu.memory_space<vmem>> -> memref<104x128xi32, #tpu.memory_space<vmem>>
        %dma_start3A_93 = arith.constant 0 : i32
        %dma_start3A_94 = arith.constant 0 : i32
        %dma_start3A_95 = tpu.memref_slice %arg3[%add3A_87, %dma_start3A_93, %dma_start3A_94] : memref<32x104x128xi32, #tpu.memory_space<hbm>> -> memref<1x104x128xi32, #tpu.memory_space<hbm>>
        %dma_start3A_96 = tpu.memref_squeeze %dma_start3A_95 : memref<1x104x128xi32, #tpu.memory_space<hbm>> -> memref<104x128xi32, #tpu.memory_space<hbm>>
        %dma_start3A_97 = arith.constant 0 : i32
        %dma_start3A_98 = arith.constant 0 : i32
        %dma_start3A_99 = tpu.memref_slice %arg8[%run_scoped3A_88, %dma_start3A_97, %dma_start3A_98] : memref<2x104x128xi32, #tpu.memory_space<vmem>> -> memref<1x104x128xi32, #tpu.memory_space<vmem>>
        %dma_start3A_100 = tpu.memref_squeeze %dma_start3A_99 : memref<1x104x128xi32, #tpu.memory_space<vmem>> -> memref<104x128xi32, #tpu.memory_space<vmem>>
        %dma_start3A_101 = arith.constant 0 : i32
        %dma_start3A_102 = arith.constant 0 : i32
        %dma_start3A_103 = tpu.memref_slice %arg3[%add3A_87, %dma_start3A_101, %dma_start3A_102] : memref<32x104x128xi32, #tpu.memory_space<hbm>> -> memref<1x104x128xi32, #tpu.memory_space<hbm>>
        %dma_start3A_104 = tpu.memref_squeeze %dma_start3A_103 : memref<1x104x128xi32, #tpu.memory_space<hbm>> -> memref<104x128xi32, #tpu.memory_space<hbm>>
        tpu.enqueue_dma source(%dma_start3A_104 : memref<104x128xi32, #tpu.memory_space<hbm>>) target(%dma_start3A_100 : memref<104x128xi32, #tpu.memory_space<vmem>>) target_semaphore(%run_scoped3A_89 : memref<!tpu.dma_semaphore, #tpu.memory_space<semaphore_mem>>)
        %dma_wait3A_105 = arith.constant 0 : i32
        %dma_wait3A_106 = arith.constant 0 : i32
        %dma_wait3A_107 = tpu.memref_slice %arg8[%run_scoped3A_88, %dma_wait3A_105, %dma_wait3A_106] : memref<2x104x128xi32, #tpu.memory_space<vmem>> -> memref<1x104x128xi32, #tpu.memory_space<vmem>>
        %dma_wait3A_108 = tpu.memref_squeeze %dma_wait3A_107 : memref<1x104x128xi32, #tpu.memory_space<vmem>> -> memref<104x128xi32, #tpu.memory_space<vmem>>
        %dma_wait3A_109 = arith.constant 0 : i32
        %dma_wait3A_110 = arith.constant 0 : i32
        %dma_wait3A_111 = tpu.memref_slice %arg3[%add3A_87, %dma_wait3A_109, %dma_wait3A_110] : memref<32x104x128xi32, #tpu.memory_space<hbm>> -> memref<1x104x128xi32, #tpu.memory_space<hbm>>
        %dma_wait3A_112 = tpu.memref_squeeze %dma_wait3A_111 : memref<1x104x128xi32, #tpu.memory_space<hbm>> -> memref<104x128xi32, #tpu.memory_space<hbm>>
        %dma_wait3A_113 = arith.constant 0 : i32
        %dma_wait3A_114 = arith.constant 0 : i32
        %dma_wait3A_115 = tpu.memref_slice %arg8[%run_scoped3A_88, %dma_wait3A_113, %dma_wait3A_114] : memref<2x104x128xi32, #tpu.memory_space<vmem>> -> memref<1x104x128xi32, #tpu.memory_space<vmem>>
        %dma_wait3A_116 = tpu.memref_squeeze %dma_wait3A_115 : memref<1x104x128xi32, #tpu.memory_space<vmem>> -> memref<104x128xi32, #tpu.memory_space<vmem>>
        %dma_wait3A_117 = arith.constant 0 : i32
        %dma_wait3A_118 = arith.constant 0 : i32
        %dma_wait3A_119 = tpu.memref_slice %arg3[%add3A_87, %dma_wait3A_117, %dma_wait3A_118] : memref<32x104x128xi32, #tpu.memory_space<hbm>> -> memref<1x104x128xi32, #tpu.memory_space<hbm>>
        %dma_wait3A_120 = tpu.memref_squeeze %dma_wait3A_119 : memref<1x104x128xi32, #tpu.memory_space<hbm>> -> memref<104x128xi32, #tpu.memory_space<hbm>>
        tpu.wait_dma2 semaphore(%run_scoped3A_89 : memref<!tpu.dma_semaphore, #tpu.memory_space<semaphore_mem>>) src(%dma_wait3A_120 : memref<104x128xi32, #tpu.memory_space<hbm>>) dst(%dma_wait3A_116 : memref<104x128xi32, #tpu.memory_space<vmem>>)
        tpu.yield
      }) : () -> ()
    } else {
    }
    "tpu.region"() ({
      %run_scoped3A = tpu.sem_alloc : memref<!tpu.dma_semaphore, #tpu.memory_space<semaphore_mem>>
      tpu.enqueue_dma source(%arg5 : memref<128x128xf32, #tpu.memory_space<hbm>>) target(%arg9 : memref<128x128xf32, #tpu.memory_space<vmem>>) target_semaphore(%run_scoped3A : memref<!tpu.dma_semaphore, #tpu.memory_space<semaphore_mem>>)
      tpu.wait_dma2 semaphore(%run_scoped3A : memref<!tpu.dma_semaphore, #tpu.memory_space<semaphore_mem>>) src(%arg5 : memref<128x128xf32, #tpu.memory_space<hbm>>) dst(%arg9 : memref<128x128xf32, #tpu.memory_space<vmem>>)
      tpu.yield
    }) : () -> ()
    "tpu.region"() ({
      %run_scoped3A = tpu.sem_alloc : memref<!tpu.dma_semaphore, #tpu.memory_space<semaphore_mem>>
      %dma_start3A = arith.constant 0 : i32
      %dma_start3A_87 = tpu.memref_slice %arg10[%mul3A_0, %dma_start3A] : memref<10240x128xf32, #tpu.memory_space<vmem_shared>> -> memref<640x128xf32, #tpu.memory_space<vmem_shared>>
      tpu.enqueue_dma source(%arg4 : memref<640x128xf32, #tpu.memory_space<hbm>>) target(%dma_start3A_87 : memref<640x128xf32, #tpu.memory_space<vmem_shared>>) target_semaphore(%run_scoped3A : memref<!tpu.dma_semaphore, #tpu.memory_space<semaphore_mem>>)
      %dma_wait3A_88 = arith.constant 0 : i32
      %dma_wait3A_89 = tpu.memref_slice %arg10[%mul3A_0, %dma_wait3A_88] : memref<10240x128xf32, #tpu.memory_space<vmem_shared>> -> memref<640x128xf32, #tpu.memory_space<vmem_shared>>
      tpu.wait_dma2 semaphore(%run_scoped3A : memref<!tpu.dma_semaphore, #tpu.memory_space<semaphore_mem>>) src(%arg4 : memref<640x128xf32, #tpu.memory_space<hbm>>) dst(%dma_wait3A_89 : memref<640x128xf32, #tpu.memory_space<vmem_shared>>)
      tpu.yield
    }) : () -> ()
    %barrier3A = arith.constant 0 : index
    tpu.barrier barrier_id(%barrier3A)
    %scan3A = arith.constant 0 : i32
    %scan3A_8 = arith.constant 0 : i32
    %scan3A_9 = arith.constant 160 : i32
    %scan3A_10 = arith.addi %scan3A_8, %scan3A_9 : i32
    %scan3A_11 = arith.constant 1 : i32
    scf.for %scan3A_87 = %scan3A_8 to %scan3A_10 step %scan3A_11  : i32 {
      %ge3A = arith.constant 104 : i32
      %ge3A_88 = arith.cmpi sge, %scan3A_87, %ge3A : i32
      %jit3A = arith.constant 1 : i32
      %jit3A_89 = arith.constant 0 : i32
      %select_n3A = arith.select %ge3A_88, %jit3A, %jit3A_89 : i32
      %ge3A_90 = arith.constant 104 : i32
      %ge3A_91 = arith.cmpi sge, %scan3A_87, %ge3A_90 : i32
      %sub3A = arith.constant 104 : i32
      %sub3A_92 = arith.subi %scan3A_87, %sub3A : i32
      %select_n3A_93 = arith.select %ge3A_91, %sub3A_92, %scan3A_87 : i32
      %ge3A_94 = arith.constant 8 : i32
      %ge3A_95 = arith.cmpi sge, %scan3A_87, %ge3A_94 : i32
      %convert_element_type3A_96 = arith.extui %ge3A_95 : i1 to i32
      %cond3A_97 = arith.constant 0 : i32
      %cond3A_98 = arith.cmpi ne, %convert_element_type3A_96, %cond3A_97 : i32
      scf.if %cond3A_98 {
        %dma_wait3A_104 = arith.constant 0 : i32
        %dma_wait3A_105 = tpu.memref_slice %arg8[%select_n3A, %select_n3A_93, %dma_wait3A_104] : memref<2x104x128xi32, #tpu.memory_space<vmem>> -> memref<1x1x128xi32, #tpu.memory_space<vmem>>
        %dma_wait3A_106 = tpu.memref_squeeze %dma_wait3A_105 : memref<1x1x128xi32, #tpu.memory_space<vmem>> -> memref<128xi32, #tpu.memory_space<vmem>>
        %dma_wait3A_107 = arith.constant 0 : i32
        %dma_wait3A_108 = arith.constant 0 : i32
        %dma_wait3A_109 = tpu.memref_slice %arg10[%dma_wait3A_107, %dma_wait3A_108] : memref<10240x128xf32, #tpu.memory_space<vmem_shared>> -> memref<10240x128xf32, #tpu.memory_space<vmem_shared>>
        tpu.wait_indirect_dma semaphore(%arg11 : memref<!tpu.dma_semaphore, #tpu.memory_space<semaphore_mem>>) src(%arg9 : memref<128x128xf32, #tpu.memory_space<vmem>>) dst(%dma_wait3A_109 : memref<10240x128xf32, #tpu.memory_space<vmem_shared>>)
      } else {
      }
      %dma_start3A = arith.constant 0 : i32
      %dma_start3A_99 = tpu.memref_slice %arg8[%select_n3A, %select_n3A_93, %dma_start3A] : memref<2x104x128xi32, #tpu.memory_space<vmem>> -> memref<1x1x128xi32, #tpu.memory_space<vmem>>
      %dma_start3A_100 = tpu.memref_squeeze %dma_start3A_99 : memref<1x1x128xi32, #tpu.memory_space<vmem>> -> memref<128xi32, #tpu.memory_space<vmem>>
      %dma_start3A_101 = arith.constant 0 : i32
      %dma_start3A_102 = arith.constant 0 : i32
      %dma_start3A_103 = tpu.memref_slice %arg10[%dma_start3A_101, %dma_start3A_102] : memref<10240x128xf32, #tpu.memory_space<vmem_shared>> -> memref<10240x128xf32, #tpu.memory_space<vmem_shared>>
      tpu.enqueue_indirect_dma source(%arg9 : memref<128x128xf32, #tpu.memory_space<vmem>>) target(%dma_start3A_103 : memref<10240x128xf32, #tpu.memory_space<vmem_shared>>) offsets(%dma_start3A_100 : memref<128xi32, #tpu.memory_space<vmem>>) semaphore(%arg11 : memref<!tpu.dma_semaphore, #tpu.memory_space<semaphore_mem>>) {add = true}
    }
    %scan3A_12 = arith.constant 160 : i32
    %dma_wait3A = arith.constant 0 : i32
    %dma_wait3A_13 = arith.constant 0 : i32
    %dma_wait3A_14 = arith.constant 0 : i32
    %dma_wait3A_15 = tpu.memref_slice %arg8[%dma_wait3A, %dma_wait3A_13, %dma_wait3A_14] : memref<2x104x128xi32, #tpu.memory_space<vmem>> -> memref<1x1x128xi32, #tpu.memory_space<vmem>>
    %dma_wait3A_16 = tpu.memref_squeeze %dma_wait3A_15 : memref<1x1x128xi32, #tpu.memory_space<vmem>> -> memref<128xi32, #tpu.memory_space<vmem>>
    %dma_wait3A_17 = arith.constant 0 : i32
    %dma_wait3A_18 = arith.constant 0 : i32
    %dma_wait3A_19 = tpu.memref_slice %arg10[%dma_wait3A_17, %dma_wait3A_18] : memref<10240x128xf32, #tpu.memory_space<vmem_shared>> -> memref<10240x128xf32, #tpu.memory_space<vmem_shared>>
    tpu.wait_indirect_dma semaphore(%arg11 : memref<!tpu.dma_semaphore, #tpu.memory_space<semaphore_mem>>) src(%arg9 : memref<128x128xf32, #tpu.memory_space<vmem>>) dst(%dma_wait3A_19 : memref<10240x128xf32, #tpu.memory_space<vmem_shared>>)
    %dma_wait3A_20 = arith.constant 0 : i32
    %dma_wait3A_21 = arith.constant 0 : i32
    %dma_wait3A_22 = arith.constant 0 : i32
    %dma_wait3A_23 = tpu.memref_slice %arg8[%dma_wait3A_20, %dma_wait3A_21, %dma_wait3A_22] : memref<2x104x128xi32, #tpu.memory_space<vmem>> -> memref<1x1x128xi32, #tpu.memory_space<vmem>>
    %dma_wait3A_24 = tpu.memref_squeeze %dma_wait3A_23 : memref<1x1x128xi32, #tpu.memory_space<vmem>> -> memref<128xi32, #tpu.memory_space<vmem>>
    %dma_wait3A_25 = arith.constant 0 : i32
    %dma_wait3A_26 = arith.constant 0 : i32
    %dma_wait3A_27 = tpu.memref_slice %arg10[%dma_wait3A_25, %dma_wait3A_26] : memref<10240x128xf32, #tpu.memory_space<vmem_shared>> -> memref<10240x128xf32, #tpu.memory_space<vmem_shared>>
    tpu.wait_indirect_dma semaphore(%arg11 : memref<!tpu.dma_semaphore, #tpu.memory_space<semaphore_mem>>) src(%arg9 : memref<128x128xf32, #tpu.memory_space<vmem>>) dst(%dma_wait3A_27 : memref<10240x128xf32, #tpu.memory_space<vmem_shared>>)
    %dma_wait3A_28 = arith.constant 0 : i32
    %dma_wait3A_29 = arith.constant 0 : i32
    %dma_wait3A_30 = arith.constant 0 : i32
    %dma_wait3A_31 = tpu.memref_slice %arg8[%dma_wait3A_28, %dma_wait3A_29, %dma_wait3A_30] : memref<2x104x128xi32, #tpu.memory_space<vmem>> -> memref<1x1x128xi32, #tpu.memory_space<vmem>>
    %dma_wait3A_32 = tpu.memref_squeeze %dma_wait3A_31 : memref<1x1x128xi32, #tpu.memory_space<vmem>> -> memref<128xi32, #tpu.memory_space<vmem>>
    %dma_wait3A_33 = arith.constant 0 : i32
    %dma_wait3A_34 = arith.constant 0 : i32
    %dma_wait3A_35 = tpu.memref_slice %arg10[%dma_wait3A_33, %dma_wait3A_34] : memref<10240x128xf32, #tpu.memory_space<vmem_shared>> -> memref<10240x128xf32, #tpu.memory_space<vmem_shared>>
    tpu.wait_indirect_dma semaphore(%arg11 : memref<!tpu.dma_semaphore, #tpu.memory_space<semaphore_mem>>) src(%arg9 : memref<128x128xf32, #tpu.memory_space<vmem>>) dst(%dma_wait3A_35 : memref<10240x128xf32, #tpu.memory_space<vmem_shared>>)
    %dma_wait3A_36 = arith.constant 0 : i32
    %dma_wait3A_37 = arith.constant 0 : i32
    %dma_wait3A_38 = arith.constant 0 : i32
    %dma_wait3A_39 = tpu.memref_slice %arg8[%dma_wait3A_36, %dma_wait3A_37, %dma_wait3A_38] : memref<2x104x128xi32, #tpu.memory_space<vmem>> -> memref<1x1x128xi32, #tpu.memory_space<vmem>>
    %dma_wait3A_40 = tpu.memref_squeeze %dma_wait3A_39 : memref<1x1x128xi32, #tpu.memory_space<vmem>> -> memref<128xi32, #tpu.memory_space<vmem>>
    %dma_wait3A_41 = arith.constant 0 : i32
    %dma_wait3A_42 = arith.constant 0 : i32
    %dma_wait3A_43 = tpu.memref_slice %arg10[%dma_wait3A_41, %dma_wait3A_42] : memref<10240x128xf32, #tpu.memory_space<vmem_shared>> -> memref<10240x128xf32, #tpu.memory_space<vmem_shared>>
    tpu.wait_indirect_dma semaphore(%arg11 : memref<!tpu.dma_semaphore, #tpu.memory_space<semaphore_mem>>) src(%arg9 : memref<128x128xf32, #tpu.memory_space<vmem>>) dst(%dma_wait3A_43 : memref<10240x128xf32, #tpu.memory_space<vmem_shared>>)
    %dma_wait3A_44 = arith.constant 0 : i32
    %dma_wait3A_45 = arith.constant 0 : i32
    %dma_wait3A_46 = arith.constant 0 : i32
    %dma_wait3A_47 = tpu.memref_slice %arg8[%dma_wait3A_44, %dma_wait3A_45, %dma_wait3A_46] : memref<2x104x128xi32, #tpu.memory_space<vmem>> -> memref<1x1x128xi32, #tpu.memory_space<vmem>>
    %dma_wait3A_48 = tpu.memref_squeeze %dma_wait3A_47 : memref<1x1x128xi32, #tpu.memory_space<vmem>> -> memref<128xi32, #tpu.memory_space<vmem>>
    %dma_wait3A_49 = arith.constant 0 : i32
    %dma_wait3A_50 = arith.constant 0 : i32
    %dma_wait3A_51 = tpu.memref_slice %arg10[%dma_wait3A_49, %dma_wait3A_50] : memref<10240x128xf32, #tpu.memory_space<vmem_shared>> -> memref<10240x128xf32, #tpu.memory_space<vmem_shared>>
    tpu.wait_indirect_dma semaphore(%arg11 : memref<!tpu.dma_semaphore, #tpu.memory_space<semaphore_mem>>) src(%arg9 : memref<128x128xf32, #tpu.memory_space<vmem>>) dst(%dma_wait3A_51 : memref<10240x128xf32, #tpu.memory_space<vmem_shared>>)
    %dma_wait3A_52 = arith.constant 0 : i32
    %dma_wait3A_53 = arith.constant 0 : i32
    %dma_wait3A_54 = arith.constant 0 : i32
    %dma_wait3A_55 = tpu.memref_slice %arg8[%dma_wait3A_52, %dma_wait3A_53, %dma_wait3A_54] : memref<2x104x128xi32, #tpu.memory_space<vmem>> -> memref<1x1x128xi32, #tpu.memory_space<vmem>>
    %dma_wait3A_56 = tpu.memref_squeeze %dma_wait3A_55 : memref<1x1x128xi32, #tpu.memory_space<vmem>> -> memref<128xi32, #tpu.memory_space<vmem>>
    %dma_wait3A_57 = arith.constant 0 : i32
    %dma_wait3A_58 = arith.constant 0 : i32
    %dma_wait3A_59 = tpu.memref_slice %arg10[%dma_wait3A_57, %dma_wait3A_58] : memref<10240x128xf32, #tpu.memory_space<vmem_shared>> -> memref<10240x128xf32, #tpu.memory_space<vmem_shared>>
    tpu.wait_indirect_dma semaphore(%arg11 : memref<!tpu.dma_semaphore, #tpu.memory_space<semaphore_mem>>) src(%arg9 : memref<128x128xf32, #tpu.memory_space<vmem>>) dst(%dma_wait3A_59 : memref<10240x128xf32, #tpu.memory_space<vmem_shared>>)
    %dma_wait3A_60 = arith.constant 0 : i32
    %dma_wait3A_61 = arith.constant 0 : i32
    %dma_wait3A_62 = arith.constant 0 : i32
    %dma_wait3A_63 = tpu.memref_slice %arg8[%dma_wait3A_60, %dma_wait3A_61, %dma_wait3A_62] : memref<2x104x128xi32, #tpu.memory_space<vmem>> -> memref<1x1x128xi32, #tpu.memory_space<vmem>>
    %dma_wait3A_64 = tpu.memref_squeeze %dma_wait3A_63 : memref<1x1x128xi32, #tpu.memory_space<vmem>> -> memref<128xi32, #tpu.memory_space<vmem>>
    %dma_wait3A_65 = arith.constant 0 : i32
    %dma_wait3A_66 = arith.constant 0 : i32
    %dma_wait3A_67 = tpu.memref_slice %arg10[%dma_wait3A_65, %dma_wait3A_66] : memref<10240x128xf32, #tpu.memory_space<vmem_shared>> -> memref<10240x128xf32, #tpu.memory_space<vmem_shared>>
    tpu.wait_indirect_dma semaphore(%arg11 : memref<!tpu.dma_semaphore, #tpu.memory_space<semaphore_mem>>) src(%arg9 : memref<128x128xf32, #tpu.memory_space<vmem>>) dst(%dma_wait3A_67 : memref<10240x128xf32, #tpu.memory_space<vmem_shared>>)
    %dma_wait3A_68 = arith.constant 0 : i32
    %dma_wait3A_69 = arith.constant 0 : i32
    %dma_wait3A_70 = arith.constant 0 : i32
    %dma_wait3A_71 = tpu.memref_slice %arg8[%dma_wait3A_68, %dma_wait3A_69, %dma_wait3A_70] : memref<2x104x128xi32, #tpu.memory_space<vmem>> -> memref<1x1x128xi32, #tpu.memory_space<vmem>>
    %dma_wait3A_72 = tpu.memref_squeeze %dma_wait3A_71 : memref<1x1x128xi32, #tpu.memory_space<vmem>> -> memref<128xi32, #tpu.memory_space<vmem>>
    %dma_wait3A_73 = arith.constant 0 : i32
    %dma_wait3A_74 = arith.constant 0 : i32
    %dma_wait3A_75 = tpu.memref_slice %arg10[%dma_wait3A_73, %dma_wait3A_74] : memref<10240x128xf32, #tpu.memory_space<vmem_shared>> -> memref<10240x128xf32, #tpu.memory_space<vmem_shared>>
    tpu.wait_indirect_dma semaphore(%arg11 : memref<!tpu.dma_semaphore, #tpu.memory_space<semaphore_mem>>) src(%arg9 : memref<128x128xf32, #tpu.memory_space<vmem>>) dst(%dma_wait3A_75 : memref<10240x128xf32, #tpu.memory_space<vmem_shared>>)
    %barrier3A_76 = arith.constant 0 : index
    tpu.barrier barrier_id(%barrier3A_76)
    %eq3A_77 = arith.constant 0 : i32
    %eq3A_78 = arith.cmpi eq, %arg0, %eq3A_77 : i32
    %convert_element_type3A_79 = arith.extui %eq3A_78 : i1 to i32
    %cond3A_80 = arith.constant 0 : i32
    %cond3A_81 = arith.cmpi ne, %convert_element_type3A_79, %cond3A_80 : i32
    scf.if %cond3A_81 {
      "tpu.region"() ({
        %run_scoped3A = tpu.sem_alloc : memref<!tpu.dma_semaphore, #tpu.memory_space<semaphore_mem>>
        %dma_start3A = arith.constant 0 : i32
        %dma_start3A_87 = tpu.memref_slice %arg6[%mul3A_0, %dma_start3A] : memref<10240x128xf32, #tpu.memory_space<hbm>> -> memref<640x128xf32, #tpu.memory_space<hbm>>
        %dma_start3A_88 = arith.constant 0 : i32
        %dma_start3A_89 = tpu.memref_slice %arg10[%mul3A_0, %dma_start3A_88] : memref<10240x128xf32, #tpu.memory_space<vmem_shared>> -> memref<640x128xf32, #tpu.memory_space<vmem_shared>>
        tpu.enqueue_dma source(%dma_start3A_89 : memref<640x128xf32, #tpu.memory_space<vmem_shared>>) target(%dma_start3A_87 : memref<640x128xf32, #tpu.memory_space<hbm>>) target_semaphore(%run_scoped3A : memref<!tpu.dma_semaphore, #tpu.memory_space<semaphore_mem>>)
        %dma_wait3A_90 = arith.constant 0 : i32
        %dma_wait3A_91 = tpu.memref_slice %arg6[%mul3A_0, %dma_wait3A_90] : memref<10240x128xf32, #tpu.memory_space<hbm>> -> memref<640x128xf32, #tpu.memory_space<hbm>>
        %dma_wait3A_92 = arith.constant 0 : i32
        %dma_wait3A_93 = tpu.memref_slice %arg10[%mul3A_0, %dma_wait3A_92] : memref<10240x128xf32, #tpu.memory_space<vmem_shared>> -> memref<640x128xf32, #tpu.memory_space<vmem_shared>>
        tpu.wait_dma2 semaphore(%run_scoped3A : memref<!tpu.dma_semaphore, #tpu.memory_space<semaphore_mem>>) src(%dma_wait3A_93 : memref<640x128xf32, #tpu.memory_space<vmem_shared>>) dst(%dma_wait3A_91 : memref<640x128xf32, #tpu.memory_space<hbm>>)
        tpu.yield
      }) : () -> ()
    } else {
    }
    %eq3A_82 = arith.constant 1 : i32
    %eq3A_83 = arith.cmpi eq, %arg0, %eq3A_82 : i32
    %convert_element_type3A_84 = arith.extui %eq3A_83 : i1 to i32
    %cond3A_85 = arith.constant 0 : i32
    %cond3A_86 = arith.cmpi ne, %convert_element_type3A_84, %cond3A_85 : i32
    scf.if %cond3A_86 {
      "tpu.region"() ({
        %run_scoped3A = tpu.sem_alloc : memref<!tpu.dma_semaphore, #tpu.memory_space<semaphore_mem>>
        %dma_start3A = arith.constant 0 : i32
        %dma_start3A_87 = tpu.memref_slice %arg7[%mul3A_0, %dma_start3A] : memref<10240x128xf32, #tpu.memory_space<hbm>> -> memref<640x128xf32, #tpu.memory_space<hbm>>
        %dma_start3A_88 = arith.constant 0 : i32
        %dma_start3A_89 = tpu.memref_slice %arg10[%mul3A_0, %dma_start3A_88] : memref<10240x128xf32, #tpu.memory_space<vmem_shared>> -> memref<640x128xf32, #tpu.memory_space<vmem_shared>>
        tpu.enqueue_dma source(%dma_start3A_89 : memref<640x128xf32, #tpu.memory_space<vmem_shared>>) target(%dma_start3A_87 : memref<640x128xf32, #tpu.memory_space<hbm>>) target_semaphore(%run_scoped3A : memref<!tpu.dma_semaphore, #tpu.memory_space<semaphore_mem>>)
        %dma_wait3A_90 = arith.constant 0 : i32
        %dma_wait3A_91 = tpu.memref_slice %arg7[%mul3A_0, %dma_wait3A_90] : memref<10240x128xf32, #tpu.memory_space<hbm>> -> memref<640x128xf32, #tpu.memory_space<hbm>>
        %dma_wait3A_92 = arith.constant 0 : i32
        %dma_wait3A_93 = tpu.memref_slice %arg10[%mul3A_0, %dma_wait3A_92] : memref<10240x128xf32, #tpu.memory_space<vmem_shared>> -> memref<640x128xf32, #tpu.memory_space<vmem_shared>>
        tpu.wait_dma2 semaphore(%run_scoped3A : memref<!tpu.dma_semaphore, #tpu.memory_space<semaphore_mem>>) src(%dma_wait3A_93 : memref<640x128xf32, #tpu.memory_space<vmem_shared>>) dst(%dma_wait3A_91 : memref<640x128xf32, #tpu.memory_space<hbm>>)
        tpu.yield
      }) : () -> ()
    } else {
    }
    return
  }
}

#map = affine_map<(d0, d1) -> (0, 0)>
#map1 = affine_map<(d0, d1) -> (0, 0, 0)>
module attributes {stable_mosaic.version = 14 : i64} {
  func.func @body(%arg0: i32, %arg1: i32, %arg2: memref<10240x128xf32, #tpu.memory_space<hbm>>, %arg3: memref<32x104x128xi32, #tpu.memory_space<hbm>>, %arg4: memref<32x104x128xi32, #tpu.memory_space<hbm>>, %arg5: memref<640x128xf32, #tpu.memory_space<hbm>>, %arg6: memref<2x10240x128xf32, #tpu.memory_space<hbm>>, %arg7: memref<104x128xi32, #tpu.memory_space<vmem>>, %arg8: memref<104x128xi32, #tpu.memory_space<vmem>>, %arg9: memref<128x128xf32, #tpu.memory_space<vmem>>, %arg10: memref<10240x128xf32, #tpu.memory_space<vmem_shared>>, %arg11: memref<!tpu.dma_semaphore, #tpu.memory_space<semaphore_mem>>) attributes {dimension_semantics = [#tpu.dimension_semantics<core_parallel>, #tpu.dimension_semantics<subcore_parallel>], iteration_bounds = array<i64: 2, 16>, scalar_prefetch = 0 : i64, scratch_operands = 5 : i64, tpu.core_type = #tpu.core_type<sc_vector_subcore>, window_params = [{transform_indices = #map}, {transform_indices = #map1}, {transform_indices = #map1}, {transform_indices = #map}, {transform_indices = #map1}]} {
    %mul3A = arith.constant 16 : i32
    %mul3A_0 = arith.muli %arg0, %mul3A : i32
    %add3A = arith.addi %mul3A_0, %arg1 : i32
    %mul3A_1 = arith.constant 640 : i32
    %mul3A_2 = arith.muli %arg1, %mul3A_1 : i32
    "tpu.region"() ({
      %run_scoped3A = tpu.sem_alloc : memref<!tpu.dma_semaphore, #tpu.memory_space<semaphore_mem>>
      %dma_start3A = arith.constant 0 : i32
      %dma_start3A_11 = arith.constant 0 : i32
      %dma_start3A_12 = tpu.memref_slice %arg3[%add3A, %dma_start3A, %dma_start3A_11] : memref<32x104x128xi32, #tpu.memory_space<hbm>> -> memref<1x104x128xi32, #tpu.memory_space<hbm>>
      %dma_start3A_13 = tpu.memref_squeeze %dma_start3A_12 : memref<1x104x128xi32, #tpu.memory_space<hbm>> -> memref<104x128xi32, #tpu.memory_space<hbm>>
      %dma_start3A_14 = arith.constant 0 : i32
      %dma_start3A_15 = arith.constant 0 : i32
      %dma_start3A_16 = tpu.memref_slice %arg3[%add3A, %dma_start3A_14, %dma_start3A_15] : memref<32x104x128xi32, #tpu.memory_space<hbm>> -> memref<1x104x128xi32, #tpu.memory_space<hbm>>
      %dma_start3A_17 = tpu.memref_squeeze %dma_start3A_16 : memref<1x104x128xi32, #tpu.memory_space<hbm>> -> memref<104x128xi32, #tpu.memory_space<hbm>>
      tpu.enqueue_dma source(%dma_start3A_17 : memref<104x128xi32, #tpu.memory_space<hbm>>) target(%arg7 : memref<104x128xi32, #tpu.memory_space<vmem>>) target_semaphore(%run_scoped3A : memref<!tpu.dma_semaphore, #tpu.memory_space<semaphore_mem>>)
      %dma_wait3A = arith.constant 0 : i32
      %dma_wait3A_18 = arith.constant 0 : i32
      %dma_wait3A_19 = tpu.memref_slice %arg3[%add3A, %dma_wait3A, %dma_wait3A_18] : memref<32x104x128xi32, #tpu.memory_space<hbm>> -> memref<1x104x128xi32, #tpu.memory_space<hbm>>
      %dma_wait3A_20 = tpu.memref_squeeze %dma_wait3A_19 : memref<1x104x128xi32, #tpu.memory_space<hbm>> -> memref<104x128xi32, #tpu.memory_space<hbm>>
      %dma_wait3A_21 = arith.constant 0 : i32
      %dma_wait3A_22 = arith.constant 0 : i32
      %dma_wait3A_23 = tpu.memref_slice %arg3[%add3A, %dma_wait3A_21, %dma_wait3A_22] : memref<32x104x128xi32, #tpu.memory_space<hbm>> -> memref<1x104x128xi32, #tpu.memory_space<hbm>>
      %dma_wait3A_24 = tpu.memref_squeeze %dma_wait3A_23 : memref<1x104x128xi32, #tpu.memory_space<hbm>> -> memref<104x128xi32, #tpu.memory_space<hbm>>
      tpu.wait_dma2 semaphore(%run_scoped3A : memref<!tpu.dma_semaphore, #tpu.memory_space<semaphore_mem>>) src(%dma_wait3A_24 : memref<104x128xi32, #tpu.memory_space<hbm>>) dst(%arg7 : memref<104x128xi32, #tpu.memory_space<vmem>>)
      tpu.yield
    }) : () -> ()
    "tpu.region"() ({
      %run_scoped3A = tpu.sem_alloc : memref<!tpu.dma_semaphore, #tpu.memory_space<semaphore_mem>>
      %dma_start3A = arith.constant 0 : i32
      %dma_start3A_11 = arith.constant 0 : i32
      %dma_start3A_12 = tpu.memref_slice %arg4[%add3A, %dma_start3A, %dma_start3A_11] : memref<32x104x128xi32, #tpu.memory_space<hbm>> -> memref<1x104x128xi32, #tpu.memory_space<hbm>>
      %dma_start3A_13 = tpu.memref_squeeze %dma_start3A_12 : memref<1x104x128xi32, #tpu.memory_space<hbm>> -> memref<104x128xi32, #tpu.memory_space<hbm>>
      %dma_start3A_14 = arith.constant 0 : i32
      %dma_start3A_15 = arith.constant 0 : i32
      %dma_start3A_16 = tpu.memref_slice %arg4[%add3A, %dma_start3A_14, %dma_start3A_15] : memref<32x104x128xi32, #tpu.memory_space<hbm>> -> memref<1x104x128xi32, #tpu.memory_space<hbm>>
      %dma_start3A_17 = tpu.memref_squeeze %dma_start3A_16 : memref<1x104x128xi32, #tpu.memory_space<hbm>> -> memref<104x128xi32, #tpu.memory_space<hbm>>
      tpu.enqueue_dma source(%dma_start3A_17 : memref<104x128xi32, #tpu.memory_space<hbm>>) target(%arg8 : memref<104x128xi32, #tpu.memory_space<vmem>>) target_semaphore(%run_scoped3A : memref<!tpu.dma_semaphore, #tpu.memory_space<semaphore_mem>>)
      %dma_wait3A = arith.constant 0 : i32
      %dma_wait3A_18 = arith.constant 0 : i32
      %dma_wait3A_19 = tpu.memref_slice %arg4[%add3A, %dma_wait3A, %dma_wait3A_18] : memref<32x104x128xi32, #tpu.memory_space<hbm>> -> memref<1x104x128xi32, #tpu.memory_space<hbm>>
      %dma_wait3A_20 = tpu.memref_squeeze %dma_wait3A_19 : memref<1x104x128xi32, #tpu.memory_space<hbm>> -> memref<104x128xi32, #tpu.memory_space<hbm>>
      %dma_wait3A_21 = arith.constant 0 : i32
      %dma_wait3A_22 = arith.constant 0 : i32
      %dma_wait3A_23 = tpu.memref_slice %arg4[%add3A, %dma_wait3A_21, %dma_wait3A_22] : memref<32x104x128xi32, #tpu.memory_space<hbm>> -> memref<1x104x128xi32, #tpu.memory_space<hbm>>
      %dma_wait3A_24 = tpu.memref_squeeze %dma_wait3A_23 : memref<1x104x128xi32, #tpu.memory_space<hbm>> -> memref<104x128xi32, #tpu.memory_space<hbm>>
      tpu.wait_dma2 semaphore(%run_scoped3A : memref<!tpu.dma_semaphore, #tpu.memory_space<semaphore_mem>>) src(%dma_wait3A_24 : memref<104x128xi32, #tpu.memory_space<hbm>>) dst(%arg8 : memref<104x128xi32, #tpu.memory_space<vmem>>)
      tpu.yield
    }) : () -> ()
    "tpu.region"() ({
      %run_scoped3A = tpu.sem_alloc : memref<!tpu.dma_semaphore, #tpu.memory_space<semaphore_mem>>
      %dma_start3A = arith.constant 0 : i32
      %dma_start3A_11 = tpu.memref_slice %arg10[%mul3A_2, %dma_start3A] : memref<10240x128xf32, #tpu.memory_space<vmem_shared>> -> memref<640x128xf32, #tpu.memory_space<vmem_shared>>
      tpu.enqueue_dma source(%arg5 : memref<640x128xf32, #tpu.memory_space<hbm>>) target(%dma_start3A_11 : memref<640x128xf32, #tpu.memory_space<vmem_shared>>) target_semaphore(%run_scoped3A : memref<!tpu.dma_semaphore, #tpu.memory_space<semaphore_mem>>)
      %dma_wait3A = arith.constant 0 : i32
      %dma_wait3A_12 = tpu.memref_slice %arg10[%mul3A_2, %dma_wait3A] : memref<10240x128xf32, #tpu.memory_space<vmem_shared>> -> memref<640x128xf32, #tpu.memory_space<vmem_shared>>
      tpu.wait_dma2 semaphore(%run_scoped3A : memref<!tpu.dma_semaphore, #tpu.memory_space<semaphore_mem>>) src(%arg5 : memref<640x128xf32, #tpu.memory_space<hbm>>) dst(%dma_wait3A_12 : memref<640x128xf32, #tpu.memory_space<vmem_shared>>)
      tpu.yield
    }) : () -> ()
    %barrier3A = arith.constant 0 : index
    tpu.barrier barrier_id(%barrier3A)
    %scan3A = arith.constant 0 : i32
    %scan3A_3 = arith.constant 0 : i32
    %scan3A_4 = arith.constant 56 : i32
    %scan3A_5 = arith.addi %scan3A_3, %scan3A_4 : i32
    %scan3A_6 = arith.constant 1 : i32
    scf.for %scan3A_11 = %scan3A_3 to %scan3A_5 step %scan3A_6  : i32 {
      %dma_start3A = arith.constant 0 : i32
      %dma_start3A_12 = tpu.memref_slice %arg7[%scan3A_11, %dma_start3A] : memref<104x128xi32, #tpu.memory_space<vmem>> -> memref<1x128xi32, #tpu.memory_space<vmem>>
      %dma_start3A_13 = tpu.memref_squeeze %dma_start3A_12 : memref<1x128xi32, #tpu.memory_space<vmem>> -> memref<128xi32, #tpu.memory_space<vmem>>
      %dma_start3A_14 = arith.constant 0 : i32
      %dma_start3A_15 = arith.constant 0 : i32
      %dma_start3A_16 = tpu.memref_slice %arg2[%dma_start3A_14, %dma_start3A_15] : memref<10240x128xf32, #tpu.memory_space<hbm>> -> memref<10240x128xf32, #tpu.memory_space<hbm>>
      tpu.enqueue_indirect_dma source(%dma_start3A_16 : memref<10240x128xf32, #tpu.memory_space<hbm>>) target(%arg9 : memref<128x128xf32, #tpu.memory_space<vmem>>) offsets(%dma_start3A_13 : memref<128xi32, #tpu.memory_space<vmem>>) semaphore(%arg11 : memref<!tpu.dma_semaphore, #tpu.memory_space<semaphore_mem>>)
      %dma_wait3A = arith.constant 0 : i32
      %dma_wait3A_17 = tpu.memref_slice %arg7[%scan3A_11, %dma_wait3A] : memref<104x128xi32, #tpu.memory_space<vmem>> -> memref<1x128xi32, #tpu.memory_space<vmem>>
      %dma_wait3A_18 = tpu.memref_squeeze %dma_wait3A_17 : memref<1x128xi32, #tpu.memory_space<vmem>> -> memref<128xi32, #tpu.memory_space<vmem>>
      %dma_wait3A_19 = arith.constant 0 : i32
      %dma_wait3A_20 = arith.constant 0 : i32
      %dma_wait3A_21 = tpu.memref_slice %arg2[%dma_wait3A_19, %dma_wait3A_20] : memref<10240x128xf32, #tpu.memory_space<hbm>> -> memref<10240x128xf32, #tpu.memory_space<hbm>>
      tpu.wait_indirect_dma semaphore(%arg11 : memref<!tpu.dma_semaphore, #tpu.memory_space<semaphore_mem>>) src(%dma_wait3A_21 : memref<10240x128xf32, #tpu.memory_space<hbm>>) dst(%arg9 : memref<128x128xf32, #tpu.memory_space<vmem>>)
      "tpu.region"() ({
        %run_scoped3A = tpu.sem_alloc : memref<!tpu.dma_semaphore, #tpu.memory_space<semaphore_mem>>
        %dma_start3A_22 = arith.constant 0 : i32
        %dma_start3A_23 = tpu.memref_slice %arg8[%scan3A_11, %dma_start3A_22] : memref<104x128xi32, #tpu.memory_space<vmem>> -> memref<1x128xi32, #tpu.memory_space<vmem>>
        %dma_start3A_24 = tpu.memref_squeeze %dma_start3A_23 : memref<1x128xi32, #tpu.memory_space<vmem>> -> memref<128xi32, #tpu.memory_space<vmem>>
        %dma_start3A_25 = arith.constant 0 : i32
        %dma_start3A_26 = arith.constant 0 : i32
        %dma_start3A_27 = tpu.memref_slice %arg10[%dma_start3A_25, %dma_start3A_26] : memref<10240x128xf32, #tpu.memory_space<vmem_shared>> -> memref<10240x128xf32, #tpu.memory_space<vmem_shared>>
        tpu.enqueue_indirect_dma source(%arg9 : memref<128x128xf32, #tpu.memory_space<vmem>>) target(%dma_start3A_27 : memref<10240x128xf32, #tpu.memory_space<vmem_shared>>) offsets(%dma_start3A_24 : memref<128xi32, #tpu.memory_space<vmem>>) semaphore(%run_scoped3A : memref<!tpu.dma_semaphore, #tpu.memory_space<semaphore_mem>>) {add = true}
        %dma_wait3A_28 = arith.constant 0 : i32
        %dma_wait3A_29 = tpu.memref_slice %arg8[%scan3A_11, %dma_wait3A_28] : memref<104x128xi32, #tpu.memory_space<vmem>> -> memref<1x128xi32, #tpu.memory_space<vmem>>
        %dma_wait3A_30 = tpu.memref_squeeze %dma_wait3A_29 : memref<1x128xi32, #tpu.memory_space<vmem>> -> memref<128xi32, #tpu.memory_space<vmem>>
        %dma_wait3A_31 = arith.constant 0 : i32
        %dma_wait3A_32 = arith.constant 0 : i32
        %dma_wait3A_33 = tpu.memref_slice %arg10[%dma_wait3A_31, %dma_wait3A_32] : memref<10240x128xf32, #tpu.memory_space<vmem_shared>> -> memref<10240x128xf32, #tpu.memory_space<vmem_shared>>
        tpu.wait_indirect_dma semaphore(%run_scoped3A : memref<!tpu.dma_semaphore, #tpu.memory_space<semaphore_mem>>) src(%arg9 : memref<128x128xf32, #tpu.memory_space<vmem>>) dst(%dma_wait3A_33 : memref<10240x128xf32, #tpu.memory_space<vmem_shared>>)
        tpu.yield
      }) : () -> ()
    }
    %scan3A_7 = arith.constant 56 : i32
    %eq3A = arith.constant 0 : i32
    %eq3A_8 = arith.cmpi eq, %arg0, %eq3A : i32
    %convert_element_type3A = arith.extui %eq3A_8 : i1 to i32
    %cond3A = arith.constant 0 : i32
    %cond3A_9 = arith.cmpi ne, %convert_element_type3A, %cond3A : i32
    scf.if %cond3A_9 {
      %scan3A_11 = arith.constant 0 : i32
      %scan3A_12 = arith.constant 0 : i32
      %scan3A_13 = arith.constant 48 : i32
      %scan3A_14 = arith.addi %scan3A_12, %scan3A_13 : i32
      %scan3A_15 = arith.constant 1 : i32
      scf.for %scan3A_17 = %scan3A_12 to %scan3A_14 step %scan3A_15  : i32 {
        %add3A_18 = arith.constant 56 : i32
        %add3A_19 = arith.addi %scan3A_17, %add3A_18 : i32
        %dma_start3A = arith.constant 0 : i32
        %dma_start3A_20 = tpu.memref_slice %arg7[%add3A_19, %dma_start3A] : memref<104x128xi32, #tpu.memory_space<vmem>> -> memref<1x128xi32, #tpu.memory_space<vmem>>
        %dma_start3A_21 = tpu.memref_squeeze %dma_start3A_20 : memref<1x128xi32, #tpu.memory_space<vmem>> -> memref<128xi32, #tpu.memory_space<vmem>>
        %dma_start3A_22 = arith.constant 0 : i32
        %dma_start3A_23 = arith.constant 0 : i32
        %dma_start3A_24 = tpu.memref_slice %arg2[%dma_start3A_22, %dma_start3A_23] : memref<10240x128xf32, #tpu.memory_space<hbm>> -> memref<10240x128xf32, #tpu.memory_space<hbm>>
        tpu.enqueue_indirect_dma source(%dma_start3A_24 : memref<10240x128xf32, #tpu.memory_space<hbm>>) target(%arg9 : memref<128x128xf32, #tpu.memory_space<vmem>>) offsets(%dma_start3A_21 : memref<128xi32, #tpu.memory_space<vmem>>) semaphore(%arg11 : memref<!tpu.dma_semaphore, #tpu.memory_space<semaphore_mem>>)
        %dma_wait3A = arith.constant 0 : i32
        %dma_wait3A_25 = tpu.memref_slice %arg7[%add3A_19, %dma_wait3A] : memref<104x128xi32, #tpu.memory_space<vmem>> -> memref<1x128xi32, #tpu.memory_space<vmem>>
        %dma_wait3A_26 = tpu.memref_squeeze %dma_wait3A_25 : memref<1x128xi32, #tpu.memory_space<vmem>> -> memref<128xi32, #tpu.memory_space<vmem>>
        %dma_wait3A_27 = arith.constant 0 : i32
        %dma_wait3A_28 = arith.constant 0 : i32
        %dma_wait3A_29 = tpu.memref_slice %arg2[%dma_wait3A_27, %dma_wait3A_28] : memref<10240x128xf32, #tpu.memory_space<hbm>> -> memref<10240x128xf32, #tpu.memory_space<hbm>>
        tpu.wait_indirect_dma semaphore(%arg11 : memref<!tpu.dma_semaphore, #tpu.memory_space<semaphore_mem>>) src(%dma_wait3A_29 : memref<10240x128xf32, #tpu.memory_space<hbm>>) dst(%arg9 : memref<128x128xf32, #tpu.memory_space<vmem>>)
        "tpu.region"() ({
          %run_scoped3A = tpu.sem_alloc : memref<!tpu.dma_semaphore, #tpu.memory_space<semaphore_mem>>
          %dma_start3A_30 = arith.constant 0 : i32
          %dma_start3A_31 = tpu.memref_slice %arg8[%add3A_19, %dma_start3A_30] : memref<104x128xi32, #tpu.memory_space<vmem>> -> memref<1x128xi32, #tpu.memory_space<vmem>>
          %dma_start3A_32 = tpu.memref_squeeze %dma_start3A_31 : memref<1x128xi32, #tpu.memory_space<vmem>> -> memref<128xi32, #tpu.memory_space<vmem>>
          %dma_start3A_33 = arith.constant 0 : i32
          %dma_start3A_34 = arith.constant 0 : i32
          %dma_start3A_35 = tpu.memref_slice %arg10[%dma_start3A_33, %dma_start3A_34] : memref<10240x128xf32, #tpu.memory_space<vmem_shared>> -> memref<10240x128xf32, #tpu.memory_space<vmem_shared>>
          tpu.enqueue_indirect_dma source(%arg9 : memref<128x128xf32, #tpu.memory_space<vmem>>) target(%dma_start3A_35 : memref<10240x128xf32, #tpu.memory_space<vmem_shared>>) offsets(%dma_start3A_32 : memref<128xi32, #tpu.memory_space<vmem>>) semaphore(%run_scoped3A : memref<!tpu.dma_semaphore, #tpu.memory_space<semaphore_mem>>) {add = true}
          %dma_wait3A_36 = arith.constant 0 : i32
          %dma_wait3A_37 = tpu.memref_slice %arg8[%add3A_19, %dma_wait3A_36] : memref<104x128xi32, #tpu.memory_space<vmem>> -> memref<1x128xi32, #tpu.memory_space<vmem>>
          %dma_wait3A_38 = tpu.memref_squeeze %dma_wait3A_37 : memref<1x128xi32, #tpu.memory_space<vmem>> -> memref<128xi32, #tpu.memory_space<vmem>>
          %dma_wait3A_39 = arith.constant 0 : i32
          %dma_wait3A_40 = arith.constant 0 : i32
          %dma_wait3A_41 = tpu.memref_slice %arg10[%dma_wait3A_39, %dma_wait3A_40] : memref<10240x128xf32, #tpu.memory_space<vmem_shared>> -> memref<10240x128xf32, #tpu.memory_space<vmem_shared>>
          tpu.wait_indirect_dma semaphore(%run_scoped3A : memref<!tpu.dma_semaphore, #tpu.memory_space<semaphore_mem>>) src(%arg9 : memref<128x128xf32, #tpu.memory_space<vmem>>) dst(%dma_wait3A_41 : memref<10240x128xf32, #tpu.memory_space<vmem_shared>>)
          tpu.yield
        }) : () -> ()
      }
      %scan3A_16 = arith.constant 48 : i32
    } else {
    }
    %barrier3A_10 = arith.constant 0 : index
    tpu.barrier barrier_id(%barrier3A_10)
    "tpu.region"() ({
      %run_scoped3A = tpu.sem_alloc : memref<!tpu.dma_semaphore, #tpu.memory_space<semaphore_mem>>
      %dma_start3A = arith.constant 0 : i32
      %dma_start3A_11 = tpu.memref_slice %arg6[%arg0, %mul3A_2, %dma_start3A] : memref<2x10240x128xf32, #tpu.memory_space<hbm>> -> memref<1x640x128xf32, #tpu.memory_space<hbm>>
      %dma_start3A_12 = tpu.memref_squeeze %dma_start3A_11 : memref<1x640x128xf32, #tpu.memory_space<hbm>> -> memref<640x128xf32, #tpu.memory_space<hbm>>
      %dma_start3A_13 = arith.constant 0 : i32
      %dma_start3A_14 = tpu.memref_slice %arg10[%mul3A_2, %dma_start3A_13] : memref<10240x128xf32, #tpu.memory_space<vmem_shared>> -> memref<640x128xf32, #tpu.memory_space<vmem_shared>>
      tpu.enqueue_dma source(%dma_start3A_14 : memref<640x128xf32, #tpu.memory_space<vmem_shared>>) target(%dma_start3A_12 : memref<640x128xf32, #tpu.memory_space<hbm>>) target_semaphore(%run_scoped3A : memref<!tpu.dma_semaphore, #tpu.memory_space<semaphore_mem>>)
      %dma_wait3A = arith.constant 0 : i32
      %dma_wait3A_15 = tpu.memref_slice %arg6[%arg0, %mul3A_2, %dma_wait3A] : memref<2x10240x128xf32, #tpu.memory_space<hbm>> -> memref<1x640x128xf32, #tpu.memory_space<hbm>>
      %dma_wait3A_16 = tpu.memref_squeeze %dma_wait3A_15 : memref<1x640x128xf32, #tpu.memory_space<hbm>> -> memref<640x128xf32, #tpu.memory_space<hbm>>
      %dma_wait3A_17 = arith.constant 0 : i32
      %dma_wait3A_18 = tpu.memref_slice %arg10[%mul3A_2, %dma_wait3A_17] : memref<10240x128xf32, #tpu.memory_space<vmem_shared>> -> memref<640x128xf32, #tpu.memory_space<vmem_shared>>
      tpu.wait_dma2 semaphore(%run_scoped3A : memref<!tpu.dma_semaphore, #tpu.memory_space<semaphore_mem>>) src(%dma_wait3A_18 : memref<640x128xf32, #tpu.memory_space<vmem_shared>>) dst(%dma_wait3A_16 : memref<640x128xf32, #tpu.memory_space<hbm>>)
      tpu.yield
    }) : () -> ()
    return
  }
}

#map = affine_map<(d0, d1) -> (0, 0)>
#map1 = affine_map<(d0, d1) -> (0, 0, 0)>
module attributes {stable_mosaic.version = 14 : i64} {
  func.func @body(%arg0: i32, %arg1: i32, %arg2: memref<10240x128xf32, #tpu.memory_space<hbm>>, %arg3: memref<32x104x128xi32, #tpu.memory_space<hbm>>, %arg4: memref<32x104x128xi32, #tpu.memory_space<hbm>>, %arg5: memref<640x128xf32, #tpu.memory_space<hbm>>, %arg6: memref<2x10240x128xf32, #tpu.memory_space<hbm>>, %arg7: memref<104x128xi32, #tpu.memory_space<vmem>>, %arg8: memref<104x128xi32, #tpu.memory_space<vmem>>, %arg9: memref<128x128xf32, #tpu.memory_space<vmem>>, %arg10: memref<10240x128xf32, #tpu.memory_space<vmem_shared>>, %arg11: memref<!tpu.dma_semaphore, #tpu.memory_space<semaphore_mem>>) attributes {dimension_semantics = [#tpu.dimension_semantics<core_parallel>, #tpu.dimension_semantics<subcore_parallel>], iteration_bounds = array<i64: 2, 16>, scalar_prefetch = 0 : i64, scratch_operands = 5 : i64, tpu.core_type = #tpu.core_type<sc_vector_subcore>, window_params = [{transform_indices = #map}, {transform_indices = #map1}, {transform_indices = #map1}, {transform_indices = #map}, {transform_indices = #map1}]} {
    %mul3A = arith.constant 16 : i32
    %mul3A_0 = arith.muli %arg0, %mul3A : i32
    %add3A = arith.addi %mul3A_0, %arg1 : i32
    %mul3A_1 = arith.constant 640 : i32
    %mul3A_2 = arith.muli %arg1, %mul3A_1 : i32
    "tpu.region"() ({
      %run_scoped3A = tpu.sem_alloc : memref<!tpu.dma_semaphore, #tpu.memory_space<semaphore_mem>>
      %dma_start3A = arith.constant 0 : i32
      %dma_start3A_11 = arith.constant 0 : i32
      %dma_start3A_12 = tpu.memref_slice %arg3[%add3A, %dma_start3A, %dma_start3A_11] : memref<32x104x128xi32, #tpu.memory_space<hbm>> -> memref<1x104x128xi32, #tpu.memory_space<hbm>>
      %dma_start3A_13 = tpu.memref_squeeze %dma_start3A_12 : memref<1x104x128xi32, #tpu.memory_space<hbm>> -> memref<104x128xi32, #tpu.memory_space<hbm>>
      %dma_start3A_14 = arith.constant 0 : i32
      %dma_start3A_15 = arith.constant 0 : i32
      %dma_start3A_16 = tpu.memref_slice %arg3[%add3A, %dma_start3A_14, %dma_start3A_15] : memref<32x104x128xi32, #tpu.memory_space<hbm>> -> memref<1x104x128xi32, #tpu.memory_space<hbm>>
      %dma_start3A_17 = tpu.memref_squeeze %dma_start3A_16 : memref<1x104x128xi32, #tpu.memory_space<hbm>> -> memref<104x128xi32, #tpu.memory_space<hbm>>
      tpu.enqueue_dma source(%dma_start3A_17 : memref<104x128xi32, #tpu.memory_space<hbm>>) target(%arg7 : memref<104x128xi32, #tpu.memory_space<vmem>>) target_semaphore(%run_scoped3A : memref<!tpu.dma_semaphore, #tpu.memory_space<semaphore_mem>>)
      %dma_wait3A = arith.constant 0 : i32
      %dma_wait3A_18 = arith.constant 0 : i32
      %dma_wait3A_19 = tpu.memref_slice %arg3[%add3A, %dma_wait3A, %dma_wait3A_18] : memref<32x104x128xi32, #tpu.memory_space<hbm>> -> memref<1x104x128xi32, #tpu.memory_space<hbm>>
      %dma_wait3A_20 = tpu.memref_squeeze %dma_wait3A_19 : memref<1x104x128xi32, #tpu.memory_space<hbm>> -> memref<104x128xi32, #tpu.memory_space<hbm>>
      %dma_wait3A_21 = arith.constant 0 : i32
      %dma_wait3A_22 = arith.constant 0 : i32
      %dma_wait3A_23 = tpu.memref_slice %arg3[%add3A, %dma_wait3A_21, %dma_wait3A_22] : memref<32x104x128xi32, #tpu.memory_space<hbm>> -> memref<1x104x128xi32, #tpu.memory_space<hbm>>
      %dma_wait3A_24 = tpu.memref_squeeze %dma_wait3A_23 : memref<1x104x128xi32, #tpu.memory_space<hbm>> -> memref<104x128xi32, #tpu.memory_space<hbm>>
      tpu.wait_dma2 semaphore(%run_scoped3A : memref<!tpu.dma_semaphore, #tpu.memory_space<semaphore_mem>>) src(%dma_wait3A_24 : memref<104x128xi32, #tpu.memory_space<hbm>>) dst(%arg7 : memref<104x128xi32, #tpu.memory_space<vmem>>)
      tpu.yield
    }) : () -> ()
    "tpu.region"() ({
      %run_scoped3A = tpu.sem_alloc : memref<!tpu.dma_semaphore, #tpu.memory_space<semaphore_mem>>
      %dma_start3A = arith.constant 0 : i32
      %dma_start3A_11 = arith.constant 0 : i32
      %dma_start3A_12 = tpu.memref_slice %arg4[%add3A, %dma_start3A, %dma_start3A_11] : memref<32x104x128xi32, #tpu.memory_space<hbm>> -> memref<1x104x128xi32, #tpu.memory_space<hbm>>
      %dma_start3A_13 = tpu.memref_squeeze %dma_start3A_12 : memref<1x104x128xi32, #tpu.memory_space<hbm>> -> memref<104x128xi32, #tpu.memory_space<hbm>>
      %dma_start3A_14 = arith.constant 0 : i32
      %dma_start3A_15 = arith.constant 0 : i32
      %dma_start3A_16 = tpu.memref_slice %arg4[%add3A, %dma_start3A_14, %dma_start3A_15] : memref<32x104x128xi32, #tpu.memory_space<hbm>> -> memref<1x104x128xi32, #tpu.memory_space<hbm>>
      %dma_start3A_17 = tpu.memref_squeeze %dma_start3A_16 : memref<1x104x128xi32, #tpu.memory_space<hbm>> -> memref<104x128xi32, #tpu.memory_space<hbm>>
      tpu.enqueue_dma source(%dma_start3A_17 : memref<104x128xi32, #tpu.memory_space<hbm>>) target(%arg8 : memref<104x128xi32, #tpu.memory_space<vmem>>) target_semaphore(%run_scoped3A : memref<!tpu.dma_semaphore, #tpu.memory_space<semaphore_mem>>)
      %dma_wait3A = arith.constant 0 : i32
      %dma_wait3A_18 = arith.constant 0 : i32
      %dma_wait3A_19 = tpu.memref_slice %arg4[%add3A, %dma_wait3A, %dma_wait3A_18] : memref<32x104x128xi32, #tpu.memory_space<hbm>> -> memref<1x104x128xi32, #tpu.memory_space<hbm>>
      %dma_wait3A_20 = tpu.memref_squeeze %dma_wait3A_19 : memref<1x104x128xi32, #tpu.memory_space<hbm>> -> memref<104x128xi32, #tpu.memory_space<hbm>>
      %dma_wait3A_21 = arith.constant 0 : i32
      %dma_wait3A_22 = arith.constant 0 : i32
      %dma_wait3A_23 = tpu.memref_slice %arg4[%add3A, %dma_wait3A_21, %dma_wait3A_22] : memref<32x104x128xi32, #tpu.memory_space<hbm>> -> memref<1x104x128xi32, #tpu.memory_space<hbm>>
      %dma_wait3A_24 = tpu.memref_squeeze %dma_wait3A_23 : memref<1x104x128xi32, #tpu.memory_space<hbm>> -> memref<104x128xi32, #tpu.memory_space<hbm>>
      tpu.wait_dma2 semaphore(%run_scoped3A : memref<!tpu.dma_semaphore, #tpu.memory_space<semaphore_mem>>) src(%dma_wait3A_24 : memref<104x128xi32, #tpu.memory_space<hbm>>) dst(%arg8 : memref<104x128xi32, #tpu.memory_space<vmem>>)
      tpu.yield
    }) : () -> ()
    "tpu.region"() ({
      %run_scoped3A = tpu.sem_alloc : memref<!tpu.dma_semaphore, #tpu.memory_space<semaphore_mem>>
      %dma_start3A = arith.constant 0 : i32
      %dma_start3A_11 = tpu.memref_slice %arg10[%mul3A_2, %dma_start3A] : memref<10240x128xf32, #tpu.memory_space<vmem_shared>> -> memref<640x128xf32, #tpu.memory_space<vmem_shared>>
      tpu.enqueue_dma source(%arg5 : memref<640x128xf32, #tpu.memory_space<hbm>>) target(%dma_start3A_11 : memref<640x128xf32, #tpu.memory_space<vmem_shared>>) target_semaphore(%run_scoped3A : memref<!tpu.dma_semaphore, #tpu.memory_space<semaphore_mem>>)
      %dma_wait3A = arith.constant 0 : i32
      %dma_wait3A_12 = tpu.memref_slice %arg10[%mul3A_2, %dma_wait3A] : memref<10240x128xf32, #tpu.memory_space<vmem_shared>> -> memref<640x128xf32, #tpu.memory_space<vmem_shared>>
      tpu.wait_dma2 semaphore(%run_scoped3A : memref<!tpu.dma_semaphore, #tpu.memory_space<semaphore_mem>>) src(%arg5 : memref<640x128xf32, #tpu.memory_space<hbm>>) dst(%dma_wait3A_12 : memref<640x128xf32, #tpu.memory_space<vmem_shared>>)
      tpu.yield
    }) : () -> ()
    %barrier3A = arith.constant 0 : index
    tpu.barrier barrier_id(%barrier3A)
    %scan3A = arith.constant 0 : i32
    %scan3A_3 = arith.constant 0 : i32
    %scan3A_4 = arith.constant 56 : i32
    %scan3A_5 = arith.addi %scan3A_3, %scan3A_4 : i32
    %scan3A_6 = arith.constant 1 : i32
    scf.for %scan3A_11 = %scan3A_3 to %scan3A_5 step %scan3A_6  : i32 {
      %dma_start3A = arith.constant 0 : i32
      %dma_start3A_12 = tpu.memref_slice %arg7[%scan3A_11, %dma_start3A] : memref<104x128xi32, #tpu.memory_space<vmem>> -> memref<1x128xi32, #tpu.memory_space<vmem>>
      %dma_start3A_13 = tpu.memref_squeeze %dma_start3A_12 : memref<1x128xi32, #tpu.memory_space<vmem>> -> memref<128xi32, #tpu.memory_space<vmem>>
      %dma_start3A_14 = arith.constant 0 : i32
      %dma_start3A_15 = arith.constant 0 : i32
      %dma_start3A_16 = tpu.memref_slice %arg2[%dma_start3A_14, %dma_start3A_15] : memref<10240x128xf32, #tpu.memory_space<hbm>> -> memref<10240x128xf32, #tpu.memory_space<hbm>>
      tpu.enqueue_indirect_dma source(%dma_start3A_16 : memref<10240x128xf32, #tpu.memory_space<hbm>>) target(%arg9 : memref<128x128xf32, #tpu.memory_space<vmem>>) offsets(%dma_start3A_13 : memref<128xi32, #tpu.memory_space<vmem>>) semaphore(%arg11 : memref<!tpu.dma_semaphore, #tpu.memory_space<semaphore_mem>>)
      %dma_wait3A = arith.constant 0 : i32
      %dma_wait3A_17 = tpu.memref_slice %arg7[%scan3A_11, %dma_wait3A] : memref<104x128xi32, #tpu.memory_space<vmem>> -> memref<1x128xi32, #tpu.memory_space<vmem>>
      %dma_wait3A_18 = tpu.memref_squeeze %dma_wait3A_17 : memref<1x128xi32, #tpu.memory_space<vmem>> -> memref<128xi32, #tpu.memory_space<vmem>>
      %dma_wait3A_19 = arith.constant 0 : i32
      %dma_wait3A_20 = arith.constant 0 : i32
      %dma_wait3A_21 = tpu.memref_slice %arg2[%dma_wait3A_19, %dma_wait3A_20] : memref<10240x128xf32, #tpu.memory_space<hbm>> -> memref<10240x128xf32, #tpu.memory_space<hbm>>
      tpu.wait_indirect_dma semaphore(%arg11 : memref<!tpu.dma_semaphore, #tpu.memory_space<semaphore_mem>>) src(%dma_wait3A_21 : memref<10240x128xf32, #tpu.memory_space<hbm>>) dst(%arg9 : memref<128x128xf32, #tpu.memory_space<vmem>>)
      "tpu.region"() ({
        %run_scoped3A = tpu.sem_alloc : memref<!tpu.dma_semaphore, #tpu.memory_space<semaphore_mem>>
        %dma_start3A_22 = arith.constant 0 : i32
        %dma_start3A_23 = tpu.memref_slice %arg8[%scan3A_11, %dma_start3A_22] : memref<104x128xi32, #tpu.memory_space<vmem>> -> memref<1x128xi32, #tpu.memory_space<vmem>>
        %dma_start3A_24 = tpu.memref_squeeze %dma_start3A_23 : memref<1x128xi32, #tpu.memory_space<vmem>> -> memref<128xi32, #tpu.memory_space<vmem>>
        %dma_start3A_25 = arith.constant 0 : i32
        %dma_start3A_26 = arith.constant 0 : i32
        %dma_start3A_27 = tpu.memref_slice %arg10[%dma_start3A_25, %dma_start3A_26] : memref<10240x128xf32, #tpu.memory_space<vmem_shared>> -> memref<10240x128xf32, #tpu.memory_space<vmem_shared>>
        tpu.enqueue_indirect_dma source(%arg9 : memref<128x128xf32, #tpu.memory_space<vmem>>) target(%dma_start3A_27 : memref<10240x128xf32, #tpu.memory_space<vmem_shared>>) offsets(%dma_start3A_24 : memref<128xi32, #tpu.memory_space<vmem>>) semaphore(%run_scoped3A : memref<!tpu.dma_semaphore, #tpu.memory_space<semaphore_mem>>) {add = true}
        %dma_wait3A_28 = arith.constant 0 : i32
        %dma_wait3A_29 = tpu.memref_slice %arg8[%scan3A_11, %dma_wait3A_28] : memref<104x128xi32, #tpu.memory_space<vmem>> -> memref<1x128xi32, #tpu.memory_space<vmem>>
        %dma_wait3A_30 = tpu.memref_squeeze %dma_wait3A_29 : memref<1x128xi32, #tpu.memory_space<vmem>> -> memref<128xi32, #tpu.memory_space<vmem>>
        %dma_wait3A_31 = arith.constant 0 : i32
        %dma_wait3A_32 = arith.constant 0 : i32
        %dma_wait3A_33 = tpu.memref_slice %arg10[%dma_wait3A_31, %dma_wait3A_32] : memref<10240x128xf32, #tpu.memory_space<vmem_shared>> -> memref<10240x128xf32, #tpu.memory_space<vmem_shared>>
        tpu.wait_indirect_dma semaphore(%run_scoped3A : memref<!tpu.dma_semaphore, #tpu.memory_space<semaphore_mem>>) src(%arg9 : memref<128x128xf32, #tpu.memory_space<vmem>>) dst(%dma_wait3A_33 : memref<10240x128xf32, #tpu.memory_space<vmem_shared>>)
        tpu.yield
      }) : () -> ()
    }
    %scan3A_7 = arith.constant 56 : i32
    %eq3A = arith.constant 0 : i32
    %eq3A_8 = arith.cmpi eq, %arg0, %eq3A : i32
    %convert_element_type3A = arith.extui %eq3A_8 : i1 to i32
    %cond3A = arith.constant 0 : i32
    %cond3A_9 = arith.cmpi ne, %convert_element_type3A, %cond3A : i32
    scf.if %cond3A_9 {
      %scan3A_11 = arith.constant 0 : i32
      %scan3A_12 = arith.constant 0 : i32
      %scan3A_13 = arith.constant 48 : i32
      %scan3A_14 = arith.addi %scan3A_12, %scan3A_13 : i32
      %scan3A_15 = arith.constant 1 : i32
      scf.for %scan3A_17 = %scan3A_12 to %scan3A_14 step %scan3A_15  : i32 {
        %add3A_18 = arith.constant 56 : i32
        %add3A_19 = arith.addi %scan3A_17, %add3A_18 : i32
        %dma_start3A = arith.constant 0 : i32
        %dma_start3A_20 = tpu.memref_slice %arg7[%add3A_19, %dma_start3A] : memref<104x128xi32, #tpu.memory_space<vmem>> -> memref<1x128xi32, #tpu.memory_space<vmem>>
        %dma_start3A_21 = tpu.memref_squeeze %dma_start3A_20 : memref<1x128xi32, #tpu.memory_space<vmem>> -> memref<128xi32, #tpu.memory_space<vmem>>
        %dma_start3A_22 = arith.constant 0 : i32
        %dma_start3A_23 = arith.constant 0 : i32
        %dma_start3A_24 = tpu.memref_slice %arg2[%dma_start3A_22, %dma_start3A_23] : memref<10240x128xf32, #tpu.memory_space<hbm>> -> memref<10240x128xf32, #tpu.memory_space<hbm>>
        tpu.enqueue_indirect_dma source(%dma_start3A_24 : memref<10240x128xf32, #tpu.memory_space<hbm>>) target(%arg9 : memref<128x128xf32, #tpu.memory_space<vmem>>) offsets(%dma_start3A_21 : memref<128xi32, #tpu.memory_space<vmem>>) semaphore(%arg11 : memref<!tpu.dma_semaphore, #tpu.memory_space<semaphore_mem>>)
        %dma_wait3A = arith.constant 0 : i32
        %dma_wait3A_25 = tpu.memref_slice %arg7[%add3A_19, %dma_wait3A] : memref<104x128xi32, #tpu.memory_space<vmem>> -> memref<1x128xi32, #tpu.memory_space<vmem>>
        %dma_wait3A_26 = tpu.memref_squeeze %dma_wait3A_25 : memref<1x128xi32, #tpu.memory_space<vmem>> -> memref<128xi32, #tpu.memory_space<vmem>>
        %dma_wait3A_27 = arith.constant 0 : i32
        %dma_wait3A_28 = arith.constant 0 : i32
        %dma_wait3A_29 = tpu.memref_slice %arg2[%dma_wait3A_27, %dma_wait3A_28] : memref<10240x128xf32, #tpu.memory_space<hbm>> -> memref<10240x128xf32, #tpu.memory_space<hbm>>
        tpu.wait_indirect_dma semaphore(%arg11 : memref<!tpu.dma_semaphore, #tpu.memory_space<semaphore_mem>>) src(%dma_wait3A_29 : memref<10240x128xf32, #tpu.memory_space<hbm>>) dst(%arg9 : memref<128x128xf32, #tpu.memory_space<vmem>>)
        "tpu.region"() ({
          %run_scoped3A = tpu.sem_alloc : memref<!tpu.dma_semaphore, #tpu.memory_space<semaphore_mem>>
          %dma_start3A_30 = arith.constant 0 : i32
          %dma_start3A_31 = tpu.memref_slice %arg8[%add3A_19, %dma_start3A_30] : memref<104x128xi32, #tpu.memory_space<vmem>> -> memref<1x128xi32, #tpu.memory_space<vmem>>
          %dma_start3A_32 = tpu.memref_squeeze %dma_start3A_31 : memref<1x128xi32, #tpu.memory_space<vmem>> -> memref<128xi32, #tpu.memory_space<vmem>>
          %dma_start3A_33 = arith.constant 0 : i32
          %dma_start3A_34 = arith.constant 0 : i32
          %dma_start3A_35 = tpu.memref_slice %arg10[%dma_start3A_33, %dma_start3A_34] : memref<10240x128xf32, #tpu.memory_space<vmem_shared>> -> memref<10240x128xf32, #tpu.memory_space<vmem_shared>>
          tpu.enqueue_indirect_dma source(%arg9 : memref<128x128xf32, #tpu.memory_space<vmem>>) target(%dma_start3A_35 : memref<10240x128xf32, #tpu.memory_space<vmem_shared>>) offsets(%dma_start3A_32 : memref<128xi32, #tpu.memory_space<vmem>>) semaphore(%run_scoped3A : memref<!tpu.dma_semaphore, #tpu.memory_space<semaphore_mem>>) {add = true}
          %dma_wait3A_36 = arith.constant 0 : i32
          %dma_wait3A_37 = tpu.memref_slice %arg8[%add3A_19, %dma_wait3A_36] : memref<104x128xi32, #tpu.memory_space<vmem>> -> memref<1x128xi32, #tpu.memory_space<vmem>>
          %dma_wait3A_38 = tpu.memref_squeeze %dma_wait3A_37 : memref<1x128xi32, #tpu.memory_space<vmem>> -> memref<128xi32, #tpu.memory_space<vmem>>
          %dma_wait3A_39 = arith.constant 0 : i32
          %dma_wait3A_40 = arith.constant 0 : i32
          %dma_wait3A_41 = tpu.memref_slice %arg10[%dma_wait3A_39, %dma_wait3A_40] : memref<10240x128xf32, #tpu.memory_space<vmem_shared>> -> memref<10240x128xf32, #tpu.memory_space<vmem_shared>>
          tpu.wait_indirect_dma semaphore(%run_scoped3A : memref<!tpu.dma_semaphore, #tpu.memory_space<semaphore_mem>>) src(%arg9 : memref<128x128xf32, #tpu.memory_space<vmem>>) dst(%dma_wait3A_41 : memref<10240x128xf32, #tpu.memory_space<vmem_shared>>)
          tpu.yield
        }) : () -> ()
      }
      %scan3A_16 = arith.constant 48 : i32
    } else {
    }
    %barrier3A_10 = arith.constant 0 : index
    tpu.barrier barrier_id(%barrier3A_10)
    "tpu.region"() ({
      %run_scoped3A = tpu.sem_alloc : memref<!tpu.dma_semaphore, #tpu.memory_space<semaphore_mem>>
      %dma_start3A = arith.constant 0 : i32
      %dma_start3A_11 = tpu.memref_slice %arg6[%arg0, %mul3A_2, %dma_start3A] : memref<2x10240x128xf32, #tpu.memory_space<hbm>> -> memref<1x640x128xf32, #tpu.memory_space<hbm>>
      %dma_start3A_12 = tpu.memref_squeeze %dma_start3A_11 : memref<1x640x128xf32, #tpu.memory_space<hbm>> -> memref<640x128xf32, #tpu.memory_space<hbm>>
      %dma_start3A_13 = arith.constant 0 : i32
      %dma_start3A_14 = tpu.memref_slice %arg10[%mul3A_2, %dma_start3A_13] : memref<10240x128xf32, #tpu.memory_space<vmem_shared>> -> memref<640x128xf32, #tpu.memory_space<vmem_shared>>
      tpu.enqueue_dma source(%dma_start3A_14 : memref<640x128xf32, #tpu.memory_space<vmem_shared>>) target(%dma_start3A_12 : memref<640x128xf32, #tpu.memory_space<hbm>>) target_semaphore(%run_scoped3A : memref<!tpu.dma_semaphore, #tpu.memory_space<semaphore_mem>>)
      %dma_wait3A = arith.constant 0 : i32
      %dma_wait3A_15 = tpu.memref_slice %arg6[%arg0, %mul3A_2, %dma_wait3A] : memref<2x10240x128xf32, #tpu.memory_space<hbm>> -> memref<1x640x128xf32, #tpu.memory_space<hbm>>
      %dma_wait3A_16 = tpu.memref_squeeze %dma_wait3A_15 : memref<1x640x128xf32, #tpu.memory_space<hbm>> -> memref<640x128xf32, #tpu.memory_space<hbm>>
      %dma_wait3A_17 = arith.constant 0 : i32
      %dma_wait3A_18 = tpu.memref_slice %arg10[%mul3A_2, %dma_wait3A_17] : memref<10240x128xf32, #tpu.memory_space<vmem_shared>> -> memref<640x128xf32, #tpu.memory_space<vmem_shared>>
      tpu.wait_dma2 semaphore(%run_scoped3A : memref<!tpu.dma_semaphore, #tpu.memory_space<semaphore_mem>>) src(%dma_wait3A_18 : memref<640x128xf32, #tpu.memory_space<vmem_shared>>) dst(%dma_wait3A_16 : memref<640x128xf32, #tpu.memory_space<hbm>>)
      tpu.yield
    }) : () -> ()
    return
  }
}

#map = affine_map<(d0, d1) -> (0, 0)>
#map1 = affine_map<(d0, d1) -> (0, 0, 0)>
module attributes {stable_mosaic.version = 14 : i64} {
  func.func @body(%arg0: i32, %arg1: i32, %arg2: memref<10240x128xf32, #tpu.memory_space<hbm>>, %arg3: memref<32x104x128xi32, #tpu.memory_space<hbm>>, %arg4: memref<32x104x128xi32, #tpu.memory_space<hbm>>, %arg5: memref<640x128xf32, #tpu.memory_space<hbm>>, %arg6: memref<2x10240x128xf32, #tpu.memory_space<hbm>>, %arg7: memref<104x128xi32, #tpu.memory_space<vmem>>, %arg8: memref<104x128xi32, #tpu.memory_space<vmem>>, %arg9: memref<128x128xf32, #tpu.memory_space<vmem>>, %arg10: memref<10240x128xf32, #tpu.memory_space<vmem_shared>>, %arg11: memref<!tpu.dma_semaphore, #tpu.memory_space<semaphore_mem>>) attributes {dimension_semantics = [#tpu.dimension_semantics<core_parallel>, #tpu.dimension_semantics<subcore_parallel>], iteration_bounds = array<i64: 2, 16>, scalar_prefetch = 0 : i64, scratch_operands = 5 : i64, tpu.core_type = #tpu.core_type<sc_vector_subcore>, window_params = [{transform_indices = #map}, {transform_indices = #map1}, {transform_indices = #map1}, {transform_indices = #map}, {transform_indices = #map1}]} {
    %mul3A = arith.constant 16 : i32
    %mul3A_0 = arith.muli %arg0, %mul3A : i32
    %add3A = arith.addi %mul3A_0, %arg1 : i32
    %mul3A_1 = arith.constant 640 : i32
    %mul3A_2 = arith.muli %arg1, %mul3A_1 : i32
    "tpu.region"() ({
      %run_scoped3A = tpu.sem_alloc : memref<!tpu.dma_semaphore, #tpu.memory_space<semaphore_mem>>
      %dma_start3A = arith.constant 0 : i32
      %dma_start3A_11 = arith.constant 0 : i32
      %dma_start3A_12 = tpu.memref_slice %arg3[%add3A, %dma_start3A, %dma_start3A_11] : memref<32x104x128xi32, #tpu.memory_space<hbm>> -> memref<1x104x128xi32, #tpu.memory_space<hbm>>
      %dma_start3A_13 = tpu.memref_squeeze %dma_start3A_12 : memref<1x104x128xi32, #tpu.memory_space<hbm>> -> memref<104x128xi32, #tpu.memory_space<hbm>>
      %dma_start3A_14 = arith.constant 0 : i32
      %dma_start3A_15 = arith.constant 0 : i32
      %dma_start3A_16 = tpu.memref_slice %arg3[%add3A, %dma_start3A_14, %dma_start3A_15] : memref<32x104x128xi32, #tpu.memory_space<hbm>> -> memref<1x104x128xi32, #tpu.memory_space<hbm>>
      %dma_start3A_17 = tpu.memref_squeeze %dma_start3A_16 : memref<1x104x128xi32, #tpu.memory_space<hbm>> -> memref<104x128xi32, #tpu.memory_space<hbm>>
      tpu.enqueue_dma source(%dma_start3A_17 : memref<104x128xi32, #tpu.memory_space<hbm>>) target(%arg7 : memref<104x128xi32, #tpu.memory_space<vmem>>) target_semaphore(%run_scoped3A : memref<!tpu.dma_semaphore, #tpu.memory_space<semaphore_mem>>)
      %dma_wait3A = arith.constant 0 : i32
      %dma_wait3A_18 = arith.constant 0 : i32
      %dma_wait3A_19 = tpu.memref_slice %arg3[%add3A, %dma_wait3A, %dma_wait3A_18] : memref<32x104x128xi32, #tpu.memory_space<hbm>> -> memref<1x104x128xi32, #tpu.memory_space<hbm>>
      %dma_wait3A_20 = tpu.memref_squeeze %dma_wait3A_19 : memref<1x104x128xi32, #tpu.memory_space<hbm>> -> memref<104x128xi32, #tpu.memory_space<hbm>>
      %dma_wait3A_21 = arith.constant 0 : i32
      %dma_wait3A_22 = arith.constant 0 : i32
      %dma_wait3A_23 = tpu.memref_slice %arg3[%add3A, %dma_wait3A_21, %dma_wait3A_22] : memref<32x104x128xi32, #tpu.memory_space<hbm>> -> memref<1x104x128xi32, #tpu.memory_space<hbm>>
      %dma_wait3A_24 = tpu.memref_squeeze %dma_wait3A_23 : memref<1x104x128xi32, #tpu.memory_space<hbm>> -> memref<104x128xi32, #tpu.memory_space<hbm>>
      tpu.wait_dma2 semaphore(%run_scoped3A : memref<!tpu.dma_semaphore, #tpu.memory_space<semaphore_mem>>) src(%dma_wait3A_24 : memref<104x128xi32, #tpu.memory_space<hbm>>) dst(%arg7 : memref<104x128xi32, #tpu.memory_space<vmem>>)
      tpu.yield
    }) : () -> ()
    "tpu.region"() ({
      %run_scoped3A = tpu.sem_alloc : memref<!tpu.dma_semaphore, #tpu.memory_space<semaphore_mem>>
      %dma_start3A = arith.constant 0 : i32
      %dma_start3A_11 = arith.constant 0 : i32
      %dma_start3A_12 = tpu.memref_slice %arg4[%add3A, %dma_start3A, %dma_start3A_11] : memref<32x104x128xi32, #tpu.memory_space<hbm>> -> memref<1x104x128xi32, #tpu.memory_space<hbm>>
      %dma_start3A_13 = tpu.memref_squeeze %dma_start3A_12 : memref<1x104x128xi32, #tpu.memory_space<hbm>> -> memref<104x128xi32, #tpu.memory_space<hbm>>
      %dma_start3A_14 = arith.constant 0 : i32
      %dma_start3A_15 = arith.constant 0 : i32
      %dma_start3A_16 = tpu.memref_slice %arg4[%add3A, %dma_start3A_14, %dma_start3A_15] : memref<32x104x128xi32, #tpu.memory_space<hbm>> -> memref<1x104x128xi32, #tpu.memory_space<hbm>>
      %dma_start3A_17 = tpu.memref_squeeze %dma_start3A_16 : memref<1x104x128xi32, #tpu.memory_space<hbm>> -> memref<104x128xi32, #tpu.memory_space<hbm>>
      tpu.enqueue_dma source(%dma_start3A_17 : memref<104x128xi32, #tpu.memory_space<hbm>>) target(%arg8 : memref<104x128xi32, #tpu.memory_space<vmem>>) target_semaphore(%run_scoped3A : memref<!tpu.dma_semaphore, #tpu.memory_space<semaphore_mem>>)
      %dma_wait3A = arith.constant 0 : i32
      %dma_wait3A_18 = arith.constant 0 : i32
      %dma_wait3A_19 = tpu.memref_slice %arg4[%add3A, %dma_wait3A, %dma_wait3A_18] : memref<32x104x128xi32, #tpu.memory_space<hbm>> -> memref<1x104x128xi32, #tpu.memory_space<hbm>>
      %dma_wait3A_20 = tpu.memref_squeeze %dma_wait3A_19 : memref<1x104x128xi32, #tpu.memory_space<hbm>> -> memref<104x128xi32, #tpu.memory_space<hbm>>
      %dma_wait3A_21 = arith.constant 0 : i32
      %dma_wait3A_22 = arith.constant 0 : i32
      %dma_wait3A_23 = tpu.memref_slice %arg4[%add3A, %dma_wait3A_21, %dma_wait3A_22] : memref<32x104x128xi32, #tpu.memory_space<hbm>> -> memref<1x104x128xi32, #tpu.memory_space<hbm>>
      %dma_wait3A_24 = tpu.memref_squeeze %dma_wait3A_23 : memref<1x104x128xi32, #tpu.memory_space<hbm>> -> memref<104x128xi32, #tpu.memory_space<hbm>>
      tpu.wait_dma2 semaphore(%run_scoped3A : memref<!tpu.dma_semaphore, #tpu.memory_space<semaphore_mem>>) src(%dma_wait3A_24 : memref<104x128xi32, #tpu.memory_space<hbm>>) dst(%arg8 : memref<104x128xi32, #tpu.memory_space<vmem>>)
      tpu.yield
    }) : () -> ()
    "tpu.region"() ({
      %run_scoped3A = tpu.sem_alloc : memref<!tpu.dma_semaphore, #tpu.memory_space<semaphore_mem>>
      %dma_start3A = arith.constant 0 : i32
      %dma_start3A_11 = tpu.memref_slice %arg10[%mul3A_2, %dma_start3A] : memref<10240x128xf32, #tpu.memory_space<vmem_shared>> -> memref<640x128xf32, #tpu.memory_space<vmem_shared>>
      tpu.enqueue_dma source(%arg5 : memref<640x128xf32, #tpu.memory_space<hbm>>) target(%dma_start3A_11 : memref<640x128xf32, #tpu.memory_space<vmem_shared>>) target_semaphore(%run_scoped3A : memref<!tpu.dma_semaphore, #tpu.memory_space<semaphore_mem>>)
      %dma_wait3A = arith.constant 0 : i32
      %dma_wait3A_12 = tpu.memref_slice %arg10[%mul3A_2, %dma_wait3A] : memref<10240x128xf32, #tpu.memory_space<vmem_shared>> -> memref<640x128xf32, #tpu.memory_space<vmem_shared>>
      tpu.wait_dma2 semaphore(%run_scoped3A : memref<!tpu.dma_semaphore, #tpu.memory_space<semaphore_mem>>) src(%arg5 : memref<640x128xf32, #tpu.memory_space<hbm>>) dst(%dma_wait3A_12 : memref<640x128xf32, #tpu.memory_space<vmem_shared>>)
      tpu.yield
    }) : () -> ()
    %barrier3A = arith.constant 0 : index
    tpu.barrier barrier_id(%barrier3A)
    %scan3A = arith.constant 0 : i32
    %scan3A_3 = arith.constant 0 : i32
    %scan3A_4 = arith.constant 56 : i32
    %scan3A_5 = arith.addi %scan3A_3, %scan3A_4 : i32
    %scan3A_6 = arith.constant 1 : i32
    scf.for %scan3A_11 = %scan3A_3 to %scan3A_5 step %scan3A_6  : i32 {
      %dma_start3A = arith.constant 0 : i32
      %dma_start3A_12 = tpu.memref_slice %arg7[%scan3A_11, %dma_start3A] : memref<104x128xi32, #tpu.memory_space<vmem>> -> memref<1x128xi32, #tpu.memory_space<vmem>>
      %dma_start3A_13 = tpu.memref_squeeze %dma_start3A_12 : memref<1x128xi32, #tpu.memory_space<vmem>> -> memref<128xi32, #tpu.memory_space<vmem>>
      %dma_start3A_14 = arith.constant 0 : i32
      %dma_start3A_15 = arith.constant 0 : i32
      %dma_start3A_16 = tpu.memref_slice %arg2[%dma_start3A_14, %dma_start3A_15] : memref<10240x128xf32, #tpu.memory_space<hbm>> -> memref<10240x128xf32, #tpu.memory_space<hbm>>
      tpu.enqueue_indirect_dma source(%dma_start3A_16 : memref<10240x128xf32, #tpu.memory_space<hbm>>) target(%arg9 : memref<128x128xf32, #tpu.memory_space<vmem>>) offsets(%dma_start3A_13 : memref<128xi32, #tpu.memory_space<vmem>>) semaphore(%arg11 : memref<!tpu.dma_semaphore, #tpu.memory_space<semaphore_mem>>)
      %dma_wait3A = arith.constant 0 : i32
      %dma_wait3A_17 = tpu.memref_slice %arg7[%scan3A_11, %dma_wait3A] : memref<104x128xi32, #tpu.memory_space<vmem>> -> memref<1x128xi32, #tpu.memory_space<vmem>>
      %dma_wait3A_18 = tpu.memref_squeeze %dma_wait3A_17 : memref<1x128xi32, #tpu.memory_space<vmem>> -> memref<128xi32, #tpu.memory_space<vmem>>
      %dma_wait3A_19 = arith.constant 0 : i32
      %dma_wait3A_20 = arith.constant 0 : i32
      %dma_wait3A_21 = tpu.memref_slice %arg2[%dma_wait3A_19, %dma_wait3A_20] : memref<10240x128xf32, #tpu.memory_space<hbm>> -> memref<10240x128xf32, #tpu.memory_space<hbm>>
      tpu.wait_indirect_dma semaphore(%arg11 : memref<!tpu.dma_semaphore, #tpu.memory_space<semaphore_mem>>) src(%dma_wait3A_21 : memref<10240x128xf32, #tpu.memory_space<hbm>>) dst(%arg9 : memref<128x128xf32, #tpu.memory_space<vmem>>)
      "tpu.region"() ({
        %run_scoped3A = tpu.sem_alloc : memref<!tpu.dma_semaphore, #tpu.memory_space<semaphore_mem>>
        %dma_start3A_22 = arith.constant 0 : i32
        %dma_start3A_23 = tpu.memref_slice %arg8[%scan3A_11, %dma_start3A_22] : memref<104x128xi32, #tpu.memory_space<vmem>> -> memref<1x128xi32, #tpu.memory_space<vmem>>
        %dma_start3A_24 = tpu.memref_squeeze %dma_start3A_23 : memref<1x128xi32, #tpu.memory_space<vmem>> -> memref<128xi32, #tpu.memory_space<vmem>>
        %dma_start3A_25 = arith.constant 0 : i32
        %dma_start3A_26 = arith.constant 0 : i32
        %dma_start3A_27 = tpu.memref_slice %arg10[%dma_start3A_25, %dma_start3A_26] : memref<10240x128xf32, #tpu.memory_space<vmem_shared>> -> memref<10240x128xf32, #tpu.memory_space<vmem_shared>>
        tpu.enqueue_indirect_dma source(%arg9 : memref<128x128xf32, #tpu.memory_space<vmem>>) target(%dma_start3A_27 : memref<10240x128xf32, #tpu.memory_space<vmem_shared>>) offsets(%dma_start3A_24 : memref<128xi32, #tpu.memory_space<vmem>>) semaphore(%run_scoped3A : memref<!tpu.dma_semaphore, #tpu.memory_space<semaphore_mem>>) {add = true}
        %dma_wait3A_28 = arith.constant 0 : i32
        %dma_wait3A_29 = tpu.memref_slice %arg8[%scan3A_11, %dma_wait3A_28] : memref<104x128xi32, #tpu.memory_space<vmem>> -> memref<1x128xi32, #tpu.memory_space<vmem>>
        %dma_wait3A_30 = tpu.memref_squeeze %dma_wait3A_29 : memref<1x128xi32, #tpu.memory_space<vmem>> -> memref<128xi32, #tpu.memory_space<vmem>>
        %dma_wait3A_31 = arith.constant 0 : i32
        %dma_wait3A_32 = arith.constant 0 : i32
        %dma_wait3A_33 = tpu.memref_slice %arg10[%dma_wait3A_31, %dma_wait3A_32] : memref<10240x128xf32, #tpu.memory_space<vmem_shared>> -> memref<10240x128xf32, #tpu.memory_space<vmem_shared>>
        tpu.wait_indirect_dma semaphore(%run_scoped3A : memref<!tpu.dma_semaphore, #tpu.memory_space<semaphore_mem>>) src(%arg9 : memref<128x128xf32, #tpu.memory_space<vmem>>) dst(%dma_wait3A_33 : memref<10240x128xf32, #tpu.memory_space<vmem_shared>>)
        tpu.yield
      }) : () -> ()
    }
    %scan3A_7 = arith.constant 56 : i32
    %eq3A = arith.constant 0 : i32
    %eq3A_8 = arith.cmpi eq, %arg0, %eq3A : i32
    %convert_element_type3A = arith.extui %eq3A_8 : i1 to i32
    %cond3A = arith.constant 0 : i32
    %cond3A_9 = arith.cmpi ne, %convert_element_type3A, %cond3A : i32
    scf.if %cond3A_9 {
      %scan3A_11 = arith.constant 0 : i32
      %scan3A_12 = arith.constant 0 : i32
      %scan3A_13 = arith.constant 48 : i32
      %scan3A_14 = arith.addi %scan3A_12, %scan3A_13 : i32
      %scan3A_15 = arith.constant 1 : i32
      scf.for %scan3A_17 = %scan3A_12 to %scan3A_14 step %scan3A_15  : i32 {
        %add3A_18 = arith.constant 56 : i32
        %add3A_19 = arith.addi %scan3A_17, %add3A_18 : i32
        %dma_start3A = arith.constant 0 : i32
        %dma_start3A_20 = tpu.memref_slice %arg7[%add3A_19, %dma_start3A] : memref<104x128xi32, #tpu.memory_space<vmem>> -> memref<1x128xi32, #tpu.memory_space<vmem>>
        %dma_start3A_21 = tpu.memref_squeeze %dma_start3A_20 : memref<1x128xi32, #tpu.memory_space<vmem>> -> memref<128xi32, #tpu.memory_space<vmem>>
        %dma_start3A_22 = arith.constant 0 : i32
        %dma_start3A_23 = arith.constant 0 : i32
        %dma_start3A_24 = tpu.memref_slice %arg2[%dma_start3A_22, %dma_start3A_23] : memref<10240x128xf32, #tpu.memory_space<hbm>> -> memref<10240x128xf32, #tpu.memory_space<hbm>>
        tpu.enqueue_indirect_dma source(%dma_start3A_24 : memref<10240x128xf32, #tpu.memory_space<hbm>>) target(%arg9 : memref<128x128xf32, #tpu.memory_space<vmem>>) offsets(%dma_start3A_21 : memref<128xi32, #tpu.memory_space<vmem>>) semaphore(%arg11 : memref<!tpu.dma_semaphore, #tpu.memory_space<semaphore_mem>>)
        %dma_wait3A = arith.constant 0 : i32
        %dma_wait3A_25 = tpu.memref_slice %arg7[%add3A_19, %dma_wait3A] : memref<104x128xi32, #tpu.memory_space<vmem>> -> memref<1x128xi32, #tpu.memory_space<vmem>>
        %dma_wait3A_26 = tpu.memref_squeeze %dma_wait3A_25 : memref<1x128xi32, #tpu.memory_space<vmem>> -> memref<128xi32, #tpu.memory_space<vmem>>
        %dma_wait3A_27 = arith.constant 0 : i32
        %dma_wait3A_28 = arith.constant 0 : i32
        %dma_wait3A_29 = tpu.memref_slice %arg2[%dma_wait3A_27, %dma_wait3A_28] : memref<10240x128xf32, #tpu.memory_space<hbm>> -> memref<10240x128xf32, #tpu.memory_space<hbm>>
        tpu.wait_indirect_dma semaphore(%arg11 : memref<!tpu.dma_semaphore, #tpu.memory_space<semaphore_mem>>) src(%dma_wait3A_29 : memref<10240x128xf32, #tpu.memory_space<hbm>>) dst(%arg9 : memref<128x128xf32, #tpu.memory_space<vmem>>)
        "tpu.region"() ({
          %run_scoped3A = tpu.sem_alloc : memref<!tpu.dma_semaphore, #tpu.memory_space<semaphore_mem>>
          %dma_start3A_30 = arith.constant 0 : i32
          %dma_start3A_31 = tpu.memref_slice %arg8[%add3A_19, %dma_start3A_30] : memref<104x128xi32, #tpu.memory_space<vmem>> -> memref<1x128xi32, #tpu.memory_space<vmem>>
          %dma_start3A_32 = tpu.memref_squeeze %dma_start3A_31 : memref<1x128xi32, #tpu.memory_space<vmem>> -> memref<128xi32, #tpu.memory_space<vmem>>
          %dma_start3A_33 = arith.constant 0 : i32
          %dma_start3A_34 = arith.constant 0 : i32
          %dma_start3A_35 = tpu.memref_slice %arg10[%dma_start3A_33, %dma_start3A_34] : memref<10240x128xf32, #tpu.memory_space<vmem_shared>> -> memref<10240x128xf32, #tpu.memory_space<vmem_shared>>
          tpu.enqueue_indirect_dma source(%arg9 : memref<128x128xf32, #tpu.memory_space<vmem>>) target(%dma_start3A_35 : memref<10240x128xf32, #tpu.memory_space<vmem_shared>>) offsets(%dma_start3A_32 : memref<128xi32, #tpu.memory_space<vmem>>) semaphore(%run_scoped3A : memref<!tpu.dma_semaphore, #tpu.memory_space<semaphore_mem>>) {add = true}
          %dma_wait3A_36 = arith.constant 0 : i32
          %dma_wait3A_37 = tpu.memref_slice %arg8[%add3A_19, %dma_wait3A_36] : memref<104x128xi32, #tpu.memory_space<vmem>> -> memref<1x128xi32, #tpu.memory_space<vmem>>
          %dma_wait3A_38 = tpu.memref_squeeze %dma_wait3A_37 : memref<1x128xi32, #tpu.memory_space<vmem>> -> memref<128xi32, #tpu.memory_space<vmem>>
          %dma_wait3A_39 = arith.constant 0 : i32
          %dma_wait3A_40 = arith.constant 0 : i32
          %dma_wait3A_41 = tpu.memref_slice %arg10[%dma_wait3A_39, %dma_wait3A_40] : memref<10240x128xf32, #tpu.memory_space<vmem_shared>> -> memref<10240x128xf32, #tpu.memory_space<vmem_shared>>
          tpu.wait_indirect_dma semaphore(%run_scoped3A : memref<!tpu.dma_semaphore, #tpu.memory_space<semaphore_mem>>) src(%arg9 : memref<128x128xf32, #tpu.memory_space<vmem>>) dst(%dma_wait3A_41 : memref<10240x128xf32, #tpu.memory_space<vmem_shared>>)
          tpu.yield
        }) : () -> ()
      }
      %scan3A_16 = arith.constant 48 : i32
    } else {
    }
    %barrier3A_10 = arith.constant 0 : index
    tpu.barrier barrier_id(%barrier3A_10)
    "tpu.region"() ({
      %run_scoped3A = tpu.sem_alloc : memref<!tpu.dma_semaphore, #tpu.memory_space<semaphore_mem>>
      %dma_start3A = arith.constant 0 : i32
      %dma_start3A_11 = tpu.memref_slice %arg6[%arg0, %mul3A_2, %dma_start3A] : memref<2x10240x128xf32, #tpu.memory_space<hbm>> -> memref<1x640x128xf32, #tpu.memory_space<hbm>>
      %dma_start3A_12 = tpu.memref_squeeze %dma_start3A_11 : memref<1x640x128xf32, #tpu.memory_space<hbm>> -> memref<640x128xf32, #tpu.memory_space<hbm>>
      %dma_start3A_13 = arith.constant 0 : i32
      %dma_start3A_14 = tpu.memref_slice %arg10[%mul3A_2, %dma_start3A_13] : memref<10240x128xf32, #tpu.memory_space<vmem_shared>> -> memref<640x128xf32, #tpu.memory_space<vmem_shared>>
      tpu.enqueue_dma source(%dma_start3A_14 : memref<640x128xf32, #tpu.memory_space<vmem_shared>>) target(%dma_start3A_12 : memref<640x128xf32, #tpu.memory_space<hbm>>) target_semaphore(%run_scoped3A : memref<!tpu.dma_semaphore, #tpu.memory_space<semaphore_mem>>)
      %dma_wait3A = arith.constant 0 : i32
      %dma_wait3A_15 = tpu.memref_slice %arg6[%arg0, %mul3A_2, %dma_wait3A] : memref<2x10240x128xf32, #tpu.memory_space<hbm>> -> memref<1x640x128xf32, #tpu.memory_space<hbm>>
      %dma_wait3A_16 = tpu.memref_squeeze %dma_wait3A_15 : memref<1x640x128xf32, #tpu.memory_space<hbm>> -> memref<640x128xf32, #tpu.memory_space<hbm>>
      %dma_wait3A_17 = arith.constant 0 : i32
      %dma_wait3A_18 = tpu.memref_slice %arg10[%mul3A_2, %dma_wait3A_17] : memref<10240x128xf32, #tpu.memory_space<vmem_shared>> -> memref<640x128xf32, #tpu.memory_space<vmem_shared>>
      tpu.wait_dma2 semaphore(%run_scoped3A : memref<!tpu.dma_semaphore, #tpu.memory_space<semaphore_mem>>) src(%dma_wait3A_18 : memref<640x128xf32, #tpu.memory_space<vmem_shared>>) dst(%dma_wait3A_16 : memref<640x128xf32, #tpu.memory_space<hbm>>)
      tpu.yield
    }) : () -> ()
    return
  }
}

module attributes {stable_mosaic.version = 14 : i64} {
  func.func @body(%arg0: i32, %arg1: memref<512x128xf32, #tpu.memory_space<vmem>>, %arg2: memref<128x128xf32, #tpu.memory_space<vmem>>, %arg3: memref<512x128xf32, #tpu.memory_space<vmem>>) attributes {dimension_semantics = [#tpu.dimension_semantics<arbitrary>], iteration_bounds = array<i64: 20>, scalar_prefetch = 0 : i64, scratch_operands = 0 : i64, tpu.core_type = #tpu.core_type<tc>, window_params = [{transform_indices = @transform_0, window_bounds = array<i64: 512, 128>}, {pipeline_mode = #tpu.pipeline_mode<synchronous>, transform_indices = @transform_1, window_bounds = array<i64: 128, 128>}, {transform_indices = @transform_2, window_bounds = array<i64: 512, 128>}]} {
    %get3A = arith.constant 0 : index
    %get3A_0 = arith.constant 0 : index
    %get3A_1 = vector.load %arg1[%get3A, %get3A_0] : memref<512x128xf32, #tpu.memory_space<vmem>>, vector<512x128xf32>
    %get3A_2 = arith.constant 0 : index
    %get3A_3 = arith.constant 0 : index
    %get3A_4 = vector.load %arg2[%get3A_2, %get3A_3] : memref<128x128xf32, #tpu.memory_space<vmem>>, vector<128x128xf32>
    %dot_general3A = arith.constant dense<0.000000e+00> : vector<512x128xf32>
    %dot_general3A_5 = tpu.matmul %get3A_1, %get3A_4, %dot_general3A {dimension_numbers = #tpu.dot_dimension_numbers<[1], [0], [0], [1], [0, 0, 1, 1], [], []>, transpose_lhs_hint = false} : vector<512x128xf32>, vector<128x128xf32>, vector<512x128xf32> -> vector<512x128xf32>
    %swap3A = arith.constant 0 : index
    %swap3A_6 = arith.constant 0 : index
    %swap3A_7 = vector.load %arg3[%swap3A, %swap3A_6] : memref<512x128xf32, #tpu.memory_space<vmem>>, vector<512x128xf32>
    tpu.vector_store %arg3[%swap3A, %swap3A_6], %dot_general3A_5 {strides = array<i32>} : memref<512x128xf32, #tpu.memory_space<vmem>>, vector<512x128xf32>,
    return
  }
  func.func @transform_0(%arg0: i32) -> (i32, i32) {
    %c0_i32 = arith.constant 0 : i32
    %c0_i32_0 = arith.constant 0 : i32
    return %arg0, %c0_i32 : i32, i32
  }
  func.func @transform_1(%arg0: i32) -> (i32, i32) {
    %c0_i32 = arith.constant 0 : i32
    %c0_i32_0 = arith.constant 0 : i32
    %c0_i32_1 = arith.constant 0 : i32
    return %c0_i32, %c0_i32_0 : i32, i32
  }
  func.func @transform_2(%arg0: i32) -> (i32, i32) {
    %c0_i32 = arith.constant 0 : i32
    %c0_i32_0 = arith.constant 0 : i32
    return %arg0, %c0_i32 : i32, i32
  }
}

module attributes {stable_mosaic.version = 14 : i64} {
  func.func @body(%arg0: i32, %arg1: memref<1x512x128xf32, #tpu.memory_space<vmem>>, %arg2: memref<1x512x128xf32, #tpu.memory_space<vmem>>, %arg3: memref<512x128xf32, #tpu.memory_space<vmem>>, %arg4: memref<128x128xf32, #tpu.memory_space<vmem>>, %arg5: memref<512x128xf32, #tpu.memory_space<vmem>>) attributes {dimension_semantics = [#tpu.dimension_semantics<arbitrary>], iteration_bounds = array<i64: 20>, scalar_prefetch = 0 : i64, scratch_operands = 0 : i64, tpu.core_type = #tpu.core_type<tc>, window_params = [{transform_indices = @transform_0, window_bounds = array<i64: 1, 512, 128>}, {transform_indices = @transform_1, window_bounds = array<i64: 1, 512, 128>}, {transform_indices = @transform_2, window_bounds = array<i64: 512, 128>}, {pipeline_mode = #tpu.pipeline_mode<synchronous>, transform_indices = @transform_3, window_bounds = array<i64: 128, 128>}, {transform_indices = @transform_4, window_bounds = array<i64: 512, 128>}]} {
    %get3A = arith.constant 0 : index
    %get3A_0 = arith.constant 0 : index
    %get3A_1 = arith.constant 0 : index
    %get3A_2 = vector.load %arg1[%get3A, %get3A_0, %get3A_1] : memref<1x512x128xf32, #tpu.memory_space<vmem>>, vector<1x512x128xf32>
    %get3A_3 = vector.shape_cast %get3A_2 : vector<1x512x128xf32> to vector<512x128xf32>
    %get3A_4 = arith.constant 0 : index
    %get3A_5 = arith.constant 0 : index
    %get3A_6 = arith.constant 0 : index
    %get3A_7 = vector.load %arg2[%get3A_4, %get3A_5, %get3A_6] : memref<1x512x128xf32, #tpu.memory_space<vmem>>, vector<1x512x128xf32>
    %get3A_8 = vector.shape_cast %get3A_7 : vector<1x512x128xf32> to vector<512x128xf32>
    %add3A = arith.addf %get3A_3, %get3A_8 : vector<512x128xf32>
    %max3A = arith.constant 0.000000e+00 : f32
    %max3A_9 = vector.broadcast %max3A : f32 to vector<512x128xf32>
    %max3A_10 = arith.maximumf %add3A, %max3A_9 : vector<512x128xf32>
    %get3A_11 = arith.constant 0 : index
    %get3A_12 = arith.constant 0 : index
    %get3A_13 = vector.load %arg3[%get3A_11, %get3A_12] : memref<512x128xf32, #tpu.memory_space<vmem>>, vector<512x1xf32>
    %max3A_14 = arith.constant 1.000000e+00 : f32
    %max3A_15 = vector.broadcast %max3A_14 : f32 to vector<512x1xf32>
    %max3A_16 = arith.maximumf %get3A_13, %max3A_15 : vector<512x1xf32>
    %rsqrt3A = math.rsqrt %max3A_16 : vector<512x1xf32>
    %mul3A = vector.broadcast %rsqrt3A : vector<512x1xf32> to vector<512x128xf32>
    %mul3A_17 = arith.mulf %max3A_10, %mul3A : vector<512x128xf32>
    %get3A_18 = arith.constant 0 : index
    %get3A_19 = arith.constant 0 : index
    %get3A_20 = vector.load %arg4[%get3A_18, %get3A_19] : memref<128x128xf32, #tpu.memory_space<vmem>>, vector<128x128xf32>
    %dot_general3A = arith.constant dense<0.000000e+00> : vector<512x128xf32>
    %dot_general3A_21 = tpu.matmul %mul3A_17, %get3A_20, %dot_general3A {dimension_numbers = #tpu.dot_dimension_numbers<[1], [0], [0], [1], [0, 0, 1, 1], [], []>, transpose_lhs_hint = false} : vector<512x128xf32>, vector<128x128xf32>, vector<512x128xf32> -> vector<512x128xf32>
    %swap3A = arith.constant 0 : index
    %swap3A_22 = arith.constant 0 : index
    %swap3A_23 = vector.load %arg5[%swap3A, %swap3A_22] : memref<512x128xf32, #tpu.memory_space<vmem>>, vector<512x128xf32>
    tpu.vector_store %arg5[%swap3A, %swap3A_22], %dot_general3A_21 {strides = array<i32>} : memref<512x128xf32, #tpu.memory_space<vmem>>, vector<512x128xf32>,
    return
  }
  func.func @transform_0(%arg0: i32) -> (i32, i32, i32) {
    %c0_i32 = arith.constant 0 : i32
    %c0_i32_0 = arith.constant 0 : i32
    %c0_i32_1 = arith.constant 0 : i32
    return %c0_i32, %arg0, %c0_i32_0 : i32, i32, i32
  }
  func.func @transform_1(%arg0: i32) -> (i32, i32, i32) {
    %c1_i32 = arith.constant 1 : i32
    %c0_i32 = arith.constant 0 : i32
    %c0_i32_0 = arith.constant 0 : i32
    return %c1_i32, %arg0, %c0_i32 : i32, i32, i32
  }
  func.func @transform_2(%arg0: i32) -> (i32, i32) {
    %c0_i32 = arith.constant 0 : i32
    %c0_i32_0 = arith.constant 0 : i32
    return %arg0, %c0_i32 : i32, i32
  }
  func.func @transform_3(%arg0: i32) -> (i32, i32) {
    %c0_i32 = arith.constant 0 : i32
    %c0_i32_0 = arith.constant 0 : i32
    %c0_i32_1 = arith.constant 0 : i32
    return %c0_i32, %c0_i32_0 : i32, i32
  }
  func.func @transform_4(%arg0: i32) -> (i32, i32) {
    %c0_i32 = arith.constant 0 : i32
    %c0_i32_0 = arith.constant 0 : i32
    return %arg0, %c0_i32 : i32, i32
  }
}

module attributes {stable_mosaic.version = 14 : i64} {
  func.func @body(%arg0: i32, %arg1: memref<1x512x128xf32, #tpu.memory_space<vmem>>, %arg2: memref<1x512x128xf32, #tpu.memory_space<vmem>>, %arg3: memref<512x128xf32, #tpu.memory_space<vmem>>, %arg4: memref<512x128xf32, #tpu.memory_space<vmem>>, %arg5: memref<128x128xf32, #tpu.memory_space<vmem>>, %arg6: memref<512x128xf32, #tpu.memory_space<vmem>>) attributes {dimension_semantics = [#tpu.dimension_semantics<arbitrary>], iteration_bounds = array<i64: 20>, scalar_prefetch = 0 : i64, scratch_operands = 0 : i64, tpu.core_type = #tpu.core_type<tc>, window_params = [{transform_indices = @transform_0, window_bounds = array<i64: 1, 512, 128>}, {transform_indices = @transform_1, window_bounds = array<i64: 1, 512, 128>}, {transform_indices = @transform_2, window_bounds = array<i64: 512, 128>}, {transform_indices = @transform_3, window_bounds = array<i64: 512, 128>}, {pipeline_mode = #tpu.pipeline_mode<synchronous>, transform_indices = @transform_4, window_bounds = array<i64: 128, 128>}, {transform_indices = @transform_5, window_bounds = array<i64: 512, 128>}]} {
    %get3A = arith.constant 0 : index
    %get3A_0 = arith.constant 0 : index
    %get3A_1 = arith.constant 0 : index
    %get3A_2 = vector.load %arg1[%get3A, %get3A_0, %get3A_1] : memref<1x512x128xf32, #tpu.memory_space<vmem>>, vector<1x512x128xf32>
    %get3A_3 = vector.shape_cast %get3A_2 : vector<1x512x128xf32> to vector<512x128xf32>
    %get3A_4 = arith.constant 0 : index
    %get3A_5 = arith.constant 0 : index
    %get3A_6 = arith.constant 0 : index
    %get3A_7 = vector.load %arg2[%get3A_4, %get3A_5, %get3A_6] : memref<1x512x128xf32, #tpu.memory_space<vmem>>, vector<1x512x128xf32>
    %get3A_8 = vector.shape_cast %get3A_7 : vector<1x512x128xf32> to vector<512x128xf32>
    %add3A = arith.addf %get3A_3, %get3A_8 : vector<512x128xf32>
    %get3A_9 = arith.constant 0 : index
    %get3A_10 = arith.constant 0 : index
    %get3A_11 = vector.load %arg4[%get3A_9, %get3A_10] : memref<512x128xf32, #tpu.memory_space<vmem>>, vector<512x1xf32>
    %max3A = arith.constant 1.000000e+00 : f32
    %max3A_12 = vector.broadcast %max3A : f32 to vector<512x1xf32>
    %max3A_13 = arith.maximumf %get3A_11, %max3A_12 : vector<512x1xf32>
    %rsqrt3A = math.rsqrt %max3A_13 : vector<512x1xf32>
    %mul3A = vector.broadcast %rsqrt3A : vector<512x1xf32> to vector<512x128xf32>
    %mul3A_14 = arith.mulf %add3A, %mul3A : vector<512x128xf32>
    %max3A_15 = arith.constant 0.000000e+00 : f32
    %max3A_16 = vector.broadcast %max3A_15 : f32 to vector<512x128xf32>
    %max3A_17 = arith.maximumf %mul3A_14, %max3A_16 : vector<512x128xf32>
    %get3A_18 = arith.constant 0 : index
    %get3A_19 = arith.constant 0 : index
    %get3A_20 = vector.load %arg3[%get3A_18, %get3A_19] : memref<512x128xf32, #tpu.memory_space<vmem>>, vector<512x1xf32>
    %max3A_21 = arith.constant 1.000000e+00 : f32
    %max3A_22 = vector.broadcast %max3A_21 : f32 to vector<512x1xf32>
    %max3A_23 = arith.maximumf %get3A_20, %max3A_22 : vector<512x1xf32>
    %rsqrt3A_24 = math.rsqrt %max3A_23 : vector<512x1xf32>
    %mul3A_25 = vector.broadcast %rsqrt3A_24 : vector<512x1xf32> to vector<512x128xf32>
    %mul3A_26 = arith.mulf %max3A_17, %mul3A_25 : vector<512x128xf32>
    %get3A_27 = arith.constant 0 : index
    %get3A_28 = arith.constant 0 : index
    %get3A_29 = vector.load %arg5[%get3A_27, %get3A_28] : memref<128x128xf32, #tpu.memory_space<vmem>>, vector<128x128xf32>
    %dot_general3A = arith.constant dense<0.000000e+00> : vector<512x128xf32>
    %dot_general3A_30 = tpu.matmul %mul3A_26, %get3A_29, %dot_general3A {dimension_numbers = #tpu.dot_dimension_numbers<[1], [0], [0], [1], [0, 0, 1, 1], [], []>, transpose_lhs_hint = false} : vector<512x128xf32>, vector<128x128xf32>, vector<512x128xf32> -> vector<512x128xf32>
    %swap3A = arith.constant 0 : index
    %swap3A_31 = arith.constant 0 : index
    %swap3A_32 = vector.load %arg6[%swap3A, %swap3A_31] : memref<512x128xf32, #tpu.memory_space<vmem>>, vector<512x128xf32>
    tpu.vector_store %arg6[%swap3A, %swap3A_31], %dot_general3A_30 {strides = array<i32>} : memref<512x128xf32, #tpu.memory_space<vmem>>, vector<512x128xf32>,
    return
  }
  func.func @transform_0(%arg0: i32) -> (i32, i32, i32) {
    %c0_i32 = arith.constant 0 : i32
    %c0_i32_0 = arith.constant 0 : i32
    %c0_i32_1 = arith.constant 0 : i32
    return %c0_i32, %arg0, %c0_i32_0 : i32, i32, i32
  }
  func.func @transform_1(%arg0: i32) -> (i32, i32, i32) {
    %c1_i32 = arith.constant 1 : i32
    %c0_i32 = arith.constant 0 : i32
    %c0_i32_0 = arith.constant 0 : i32
    return %c1_i32, %arg0, %c0_i32 : i32, i32, i32
  }
  func.func @transform_2(%arg0: i32) -> (i32, i32) {
    %c0_i32 = arith.constant 0 : i32
    %c0_i32_0 = arith.constant 0 : i32
    return %arg0, %c0_i32 : i32, i32
  }
  func.func @transform_3(%arg0: i32) -> (i32, i32) {
    %c0_i32 = arith.constant 0 : i32
    %c0_i32_0 = arith.constant 0 : i32
    return %arg0, %c0_i32 : i32, i32
  }
  func.func @transform_4(%arg0: i32) -> (i32, i32) {
    %c0_i32 = arith.constant 0 : i32
    %c0_i32_0 = arith.constant 0 : i32
    %c0_i32_1 = arith.constant 0 : i32
    return %c0_i32, %c0_i32_0 : i32, i32
  }
  func.func @transform_5(%arg0: i32) -> (i32, i32) {
    %c0_i32 = arith.constant 0 : i32
    %c0_i32_0 = arith.constant 0 : i32
    return %arg0, %c0_i32 : i32, i32
  }
}

module attributes {stable_mosaic.version = 14 : i64} {
  func.func @body(%arg0: i32, %arg1: memref<1x512x128xf32, #tpu.memory_space<vmem>>, %arg2: memref<1x512x128xf32, #tpu.memory_space<vmem>>, %arg3: memref<512x128xf32, #tpu.memory_space<vmem>>, %arg4: memref<1x64xf32, #tpu.memory_space<vmem>>, %arg5: memref<512x64xf32, #tpu.memory_space<vmem>>) attributes {dimension_semantics = [#tpu.dimension_semantics<arbitrary>], iteration_bounds = array<i64: 20>, scalar_prefetch = 0 : i64, scratch_operands = 0 : i64, tpu.core_type = #tpu.core_type<tc>, window_params = [{transform_indices = @transform_0, window_bounds = array<i64: 1, 512, 128>}, {transform_indices = @transform_1, window_bounds = array<i64: 1, 512, 128>}, {transform_indices = @transform_2, window_bounds = array<i64: 512, 128>}, {pipeline_mode = #tpu.pipeline_mode<synchronous>, transform_indices = @transform_3, window_bounds = array<i64: 1, 64>}, {transform_indices = @transform_4, window_bounds = array<i64: 512, 64>}]} {
    %get3A = arith.constant 0 : index
    %get3A_0 = arith.constant 0 : index
    %get3A_1 = arith.constant 0 : index
    %get3A_2 = vector.load %arg1[%get3A, %get3A_0, %get3A_1] : memref<1x512x128xf32, #tpu.memory_space<vmem>>, vector<1x512x64xf32>
    %get3A_3 = vector.shape_cast %get3A_2 : vector<1x512x64xf32> to vector<512x64xf32>
    %get3A_4 = arith.constant 0 : index
    %get3A_5 = arith.constant 0 : index
    %get3A_6 = arith.constant 0 : index
    %get3A_7 = vector.load %arg2[%get3A_4, %get3A_5, %get3A_6] : memref<1x512x128xf32, #tpu.memory_space<vmem>>, vector<1x512x64xf32>
    %get3A_8 = vector.shape_cast %get3A_7 : vector<1x512x64xf32> to vector<512x64xf32>
    %add3A = arith.addf %get3A_3, %get3A_8 : vector<512x64xf32>
    %get3A_9 = arith.constant 0 : index
    %get3A_10 = arith.constant 0 : index
    %get3A_11 = vector.load %arg3[%get3A_9, %get3A_10] : memref<512x128xf32, #tpu.memory_space<vmem>>, vector<512x1xf32>
    %max3A = arith.constant 1.000000e+00 : f32
    %max3A_12 = vector.broadcast %max3A : f32 to vector<512x1xf32>
    %max3A_13 = arith.maximumf %get3A_11, %max3A_12 : vector<512x1xf32>
    %rsqrt3A = math.rsqrt %max3A_13 : vector<512x1xf32>
    %mul3A = vector.broadcast %rsqrt3A : vector<512x1xf32> to vector<512x64xf32>
    %mul3A_14 = arith.mulf %add3A, %mul3A : vector<512x64xf32>
    %get3A_15 = arith.constant 0 : index
    %get3A_16 = arith.constant 0 : index
    %get3A_17 = vector.load %arg4[%get3A_15, %get3A_16] : memref<1x64xf32, #tpu.memory_space<vmem>>, vector<1x64xf32>
    %add3A_18 = vector.broadcast %get3A_17 : vector<1x64xf32> to vector<512x64xf32>
    %add3A_19 = arith.addf %mul3A_14, %add3A_18 : vector<512x64xf32>
    %reduce_max3A = arith.constant dense<0xFF800000> : vector<512xf32>
    %reduce_max3A_20 = vector.multi_reduction <maximumf>, %add3A_19, %reduce_max3A [1] : vector<512x64xf32> to vector<512xf32>
    %broadcast_in_dim3A = vector.shape_cast %reduce_max3A_20 : vector<512xf32> to vector<512x1xf32>
    %sub3A = vector.broadcast %broadcast_in_dim3A : vector<512x1xf32> to vector<512x64xf32>
    %sub3A_21 = arith.subf %add3A_19, %sub3A : vector<512x64xf32>
    %exp3A = math.exp %sub3A_21 : vector<512x64xf32>
    %reduce_sum3A = arith.constant dense<0.000000e+00> : vector<512xf32>
    %reduce_sum3A_22 = vector.multi_reduction <add>, %exp3A, %reduce_sum3A [1] : vector<512x64xf32> to vector<512xf32>
    %broadcast_in_dim3A_23 = vector.shape_cast %reduce_sum3A_22 : vector<512xf32> to vector<512x1xf32>
    %log3A = math.log %broadcast_in_dim3A_23 : vector<512x1xf32>
    %sub3A_24 = vector.broadcast %log3A : vector<512x1xf32> to vector<512x64xf32>
    %sub3A_25 = arith.subf %sub3A_21, %sub3A_24 : vector<512x64xf32>
    %swap3A = arith.constant 0 : index
    %swap3A_26 = arith.constant 0 : index
    %swap3A_27 = vector.load %arg5[%swap3A, %swap3A_26] : memref<512x64xf32, #tpu.memory_space<vmem>>, vector<512x64xf32>
    tpu.vector_store %arg5[%swap3A, %swap3A_26], %sub3A_25 {strides = array<i32>} : memref<512x64xf32, #tpu.memory_space<vmem>>, vector<512x64xf32>,
    return
  }
  func.func @transform_0(%arg0: i32) -> (i32, i32, i32) {
    %c0_i32 = arith.constant 0 : i32
    %c0_i32_0 = arith.constant 0 : i32
    %c0_i32_1 = arith.constant 0 : i32
    return %c0_i32, %arg0, %c0_i32_0 : i32, i32, i32
  }
  func.func @transform_1(%arg0: i32) -> (i32, i32, i32) {
    %c1_i32 = arith.constant 1 : i32
    %c0_i32 = arith.constant 0 : i32
    %c0_i32_0 = arith.constant 0 : i32
    return %c1_i32, %arg0, %c0_i32 : i32, i32, i32
  }
  func.func @transform_2(%arg0: i32) -> (i32, i32) {
    %c0_i32 = arith.constant 0 : i32
    %c0_i32_0 = arith.constant 0 : i32
    return %arg0, %c0_i32 : i32, i32
  }
  func.func @transform_3(%arg0: i32) -> (i32, i32) {
    %c0_i32 = arith.constant 0 : i32
    %c0_i32_0 = arith.constant 0 : i32
    %c0_i32_1 = arith.constant 0 : i32
    return %c0_i32, %c0_i32_0 : i32, i32
  }
  func.func @transform_4(%arg0: i32) -> (i32, i32) {
    %c0_i32 = arith.constant 0 : i32
    %c0_i32_0 = arith.constant 0 : i32
    return %arg0, %c0_i32 : i32, i32
  }
}

</mosaic_0001>

<sc_bundles>
// kernel: kernel.10.cloned.1.call-start
scs
__scs_entry_jumppad:
0x0: {  	(pc) =	sbr.rel $0x88, $3  }
0x1: {  	(tag) =	ssettag $0x0;
	lr =	simm.s32 $0x1  }
0x2: {  	[smem:$0x3F9B] =	sst lr;
	_ =	strace $0xD0000000  }
0x3: {  	_ = 	snop  }
0x4: {  	_ = 	snop  }
0x5: {  	_ = 	snop  }
0x6: {  	_ = 	snop  }
0x7: {  	_ = 	snop  }
__scs_overlays_trampoline_lowered:
0x8: {  	[smem:$0x3FAA] =	sst s0  }
0x9: {  	[smem:$0x3FAB] =	sst s1  }
0xa: {  	[smem:$0x3FAC] =	sst s2  }
0xb: {  	[smem:$0x3FAD] =	sst s3  }
0xc: {  	[smem:$0x3FAE] =	sst s4  }
0xd: {  	[smem:$0x3FAF] =	sst s5  }
0xe: {  	[smem:$0x3FB0] =	sst s6  }
0xf: {  	[smem:$0x3FB1] =	sst s7  }
0x10: {  	[smem:$0x3FB2] =	sst s8  }
0x11: {  	[smem:$0x3FB3] =	sst s9;
	s0 =	simm.s32 @!p0 $0x0  }
0x12: {  	s1 =	sld [smem:$0x3F99];
	s0 =	simm.s32 @p0 $0x1  }
0x13: {  	[smem:$0x3FB4] =	sst s0;
	s0 =	simm.s32 @!p1 $0x0  }
0x14: {  	s2 =	sld [smem:$0x3F98];
	s0 =	simm.s32 @p1 $0x1  }
0x15: {  	[smem:$0x3FB5] =	sst s0;
	s0 =	simm.s32 @!p2 $0x0  }
0x16: {  	s3 =	sld [smem:$0x3FDB];
	s0 =	simm.s32 @p2 $0x1  }
0x17: {  	s4 =	simm.s32 $0x1BF5;
	[smem:$0x3FB7] =	sst s0  }
0x18: {  	s0 =	sld [smem:$0x3F9A];
	_ =	swait.ge [sflag:s4], $0x0  }
0x19: {  	s7 =	sld [smem:$0x3F9B]  }
0x1a: {  	s8 =	sadd.s32 $0xFFFFE003, lr  }
0x1b: {  	s9 =	sadd.s32 $0xFFFFFEF7, lr;
	s5 =	simm.s32 $0xFFFFFFFF;
	p2 =	slt.u32 s8, $0xFFFFF086  }
0x1c: {  	p1 =	slt.u32 s9, $0xF7A;
	s5 =	simm.s32 @!p2 $0x0  }
0x1d: {  	s5 =	simm.s32 @p1 $0x1;
	p0 =	seq.s32 s7, s2  }
0x1e: {  	s7 =	smul.u32 @!p0 $0xF7A, s2;
	p2 =	seq.s32 @!p0 s5, $0x0  }
0x1f: {  	s9 =	smul.u32 $0xF7A, s1;
	s8 =	simm.s32 @!p0 $0x1BF5;
	p2 =	por !p2, p0  }
0x20: {  	[sflag:s8] =	ssyncset.s32 @!p0 $0xFFFFF086;
	s6 =	sadd.s32 @!p0 s3, s7;
	s7 =	simm.s32 @!p0 $0x108  }
0x21: {  	s3 =	sadd.s32 s3, s9;
	s6 =	sadd.s32 @!p0 $0x88, s6;
	s7 =	simm.s32 @p2 $0x1082  }
0x22: {  	[simem:s7], [sflag:s8] =	dma.local @!p0 [hbm:s6], $0xF7A  }
0x23: {  	s9 =	sor.u32 $0xD0000000, s2;
	s6 =	simm.s32 $0x108;
	_ =	swait.ge @!p0 [sflag:s8], $0x0  }
0x24: {  	s3 =	sadd.s32 $0x88, s3;
	s6 =	simm.s32 @!p1 $0x1082;
	[sflag:s4] =	ssyncset.s32 $0xFFFFF086  }
0x25: {  	[simem:s6], [sflag:s4] =	dma.local [hbm:s3], $0xF7A  }
0x26: {  	[smem:$0x3F9B] =	sst s1;
	(tag) =	ssettag s2;
	_ =	strace s9  }
0x27: {  	s1 =	sld [smem:$0x3FAB]  }
0x28: {  	s2 =	sld [smem:$0x3FAC]  }
0x29: {  	s4 =	sld [smem:$0x3FAE]  }
0x2a: {  	p0 =	seq.s32 s5, $0x0;
	s5 =	sld [smem:$0x3FAF]  }
0x2b: {  	s6 =	sld [smem:$0x3FB0]  }
0x2c: {  	s7 =	sld [smem:$0x3FB1]  }
0x2d: {  	s3 =	simm.s32 $0x108;
	s8 =	sld [smem:$0x3FB2]  }
0x2e: {  	s3 =	simm.s32 @!p0 $0x1082;
	s9 =	sld [smem:$0x3FB3]  }
0x2f: {  	lr =	sadd.s32 s0, s3;
	s0 =	sld [smem:$0x3FAA]  }
0x30: {  	s3 =	sld [smem:$0x3FAD]  }
0x31: {  	[smem:$0x3FB6] =	sst s10  }
0x32: {  	s10 =	sld [smem:$0x3FB4];
	_ =	sdelay $0x3  }
0x33: {  	p0 =	seq.s32 s10, $0x1;
	s10 =	sld [smem:$0x3FB6];
	_ =	sdelay $0x3  }
0x34: {  	[smem:$0x3FB6] =	sst s10  }
0x35: {  	s10 =	sld [smem:$0x3FB5];
	_ =	sdelay $0x3  }
0x36: {  	p1 =	seq.s32 s10, $0x1;
	s10 =	sld [smem:$0x3FB6];
	_ =	sdelay $0x3  }
0x37: {  	[smem:$0x3FB6] =	sst s10  }
0x38: {  	s10 =	sld [smem:$0x3FB7]  }
0x39: {  	_ = 	snop;
	(pc) =	sbr.ind lr, $3  }
0x3a: {  	_ = 	snop  }
0x3b: {  	_ = 	snop  }
0x3c: {  	p2 =	seq.s32 s10, $0x1;
	s10 =	sld [smem:$0x3FB6]  }
0x3d: {  	_ =	shalt  }
0x3e: {  	_ =	shalt  }
0x3f: {  	_ =	shalt  }
0x40: {  	_ =	shalt  }
0x41: {  	_ =	shalt  }
0x42: {  	_ =	shalt  }
0x43: {  	_ =	shalt  }
0x44: {  	_ =	shalt  }
0x45: {  	_ =	shalt  }
0x46: {  	_ =	shalt  }
0x47: {  	_ =	shalt  }
0x48: {  	_ =	shalt  }
0x49: {  	_ =	shalt  }
0x4a: {  	_ =	shalt  }
0x4b: {  	_ =	shalt  }
0x4c: {  	_ =	shalt  }
0x4d: {  	_ =	shalt  }
0x4e: {  	_ =	shalt  }
0x4f: {  	_ =	shalt  }
0x50: {  	_ =	shalt  }
0x51: {  	_ =	shalt  }
0x52: {  	_ =	shalt  }
0x53: {  	_ =	shalt  }
0x54: {  	_ =	shalt  }
0x55: {  	_ =	shalt  }
0x56: {  	_ =	shalt  }
0x57: {  	_ =	shalt  }
0x58: {  	_ =	shalt  }
0x59: {  	_ =	shalt  }
0x5a: {  	_ =	shalt  }
0x5b: {  	_ =	shalt  }
0x5c: {  	_ =	shalt  }
0x5d: {  	_ =	shalt  }
0x5e: {  	_ =	shalt  }
0x5f: {  	_ =	shalt  }
0x60: {  	_ =	shalt  }
0x61: {  	_ =	shalt  }
0x62: {  	_ =	shalt  }
0x63: {  	_ =	shalt  }
0x64: {  	_ =	shalt  }
0x65: {  	_ =	shalt  }
0x66: {  	_ =	shalt  }
0x67: {  	_ =	shalt  }
0x68: {  	_ =	shalt  }
0x69: {  	_ =	shalt  }
0x6a: {  	_ =	shalt  }
0x6b: {  	_ =	shalt  }
0x6c: {  	_ =	shalt  }
0x6d: {  	_ =	shalt  }
0x6e: {  	_ =	shalt  }
0x6f: {  	_ =	shalt  }
0x70: {  	_ =	shalt  }
0x71: {  	_ =	shalt  }
0x72: {  	_ =	shalt  }
0x73: {  	_ =	shalt  }
0x74: {  	_ =	shalt  }
0x75: {  	_ =	shalt  }
0x76: {  	_ =	shalt  }
0x77: {  	_ =	shalt  }
0x78: {  	_ =	shalt  }
0x79: {  	_ =	shalt  }
0x7a: {  	_ =	shalt  }
0x7b: {  	_ =	shalt  }
0x7c: {  	_ =	shalt  }
0x7d: {  	_ =	shalt  }
0x7e: {  	_ =	shalt  }
0x7f: {  	_ =	shalt  }
0x80: {  	_ =	shalt  }
0x81: {  	_ =	shalt  }
0x82: {  	_ =	shalt  }
0x83: {  	_ =	shalt  }
0x84: {  	_ =	shalt  }
0x85: {  	_ =	shalt  }
0x86: {  	_ =	shalt  }
0x87: {  	_ =	shalt  }
.Lfunc_end0:
.L_simem_size_0:
called_computation_lowered:
.L_overlay_start_0:
0x88: {  	s2 =	sld [smem:$0x3FD9]  }
0x89: {  	s3 =	sld [smem:$0x3FFE];
	_ =	sdelay $0x1  }
0x8a: {  	s1 =	srdreg.scid  }
0x8b: {  	s0 =	sand.u32 $0x1, s1  }
0x8c: {  	s17 =	sshll.u32 s0, $0xA;
	s2 =	sadd.s32 s3, s2  }
0x8d: {  	s2 =	sadd.s32 s2, s17  }
0x8e: {  	[smem:$0x3FC2] =	sst s2  }
0x8f: {  	_ = 	snop  }
0x90: {  	s2 =	sld [smem:$0x3FD0];
	(tm) =	ssettm $0x1  }
0x91: {  	s18 =	sld [smem:$0x3FFB];
	_ =	sdelay $0x3  }
0x92: {  	_ =	strace s18  }
0x93: {  	s3 =	sld [smem:$0x3FFC];
	_ =	sdelay $0x3  }
0x94: {  	_ =	strace s3  }
0x95: {  	s3 =	sld [smem:$0x3FFD];
	_ =	sdelay $0x3  }
0x96: {  	_ =	strace s3  }
0x97: {  	_ =	strace $0x8FFFFFFF  }
0x98: {  	s19 =	sld [smem:$0x3FDB];
	_ =	sdelay $0x1  }
0x99: {  	s4 =	simm.s32 $_scs_section_size  }
0x9a: {  	s5 =	simm.s32 $_size__tile_overlayer_lowered;
	s6 =	simm.s32 $_tile_overlayer_lowered  }
0x9b: {  	s22 =	simm.s32 $0x1BFF;
	s21 =	sshll.u32 s6, $0x1;
	s3 =	sadd.s32 s4, s19  }
0x9c: {  	s7 =	simm.s32 $0x0;
	s20 =	sshll.u32 s5, $0x1;
	s5 =	sadd.s32 s21, s3  }
0x9d: {  	[timem:s7], [sflag:s22] =	dma.local [hbm:s5], s20  }
0x9e: {  	_ =	swait.ge [sflag:s22], s20  }
0x9f: {  	s4 =	ssub.s32 $0x0, s20;
	[sflag:s22] =	ssyncset.done $0x0  }
0xa0: {  	[sflag:s22] =	ssyncadd.s32 s4;
	_ =	sdelay $0x1  }
0xa1: {  	s23 =	simm.s32 $0x1B8B  }
0xa2: {  	_ =	swait.ge [sflag:s23], $0x1  }
0xa3: {  	[sflag:s23] =	ssyncset.done $0x0  }
0xa4: {  	s25 =	simm.s32 $0x1B8E;
	s24 =	sld [smem:$0x3FFE];
	[sflag:s23] =	ssyncadd.s32 $0xFFFFFFFF  }
0xa5: {  	s26 =	simm.s32 $execute0_lowered;
	[smem:$0x3FD2] =	sst s25  }
0xa6: {  	s5 =	sshll.u32 s26, $0x1;
	_ =	strace $0x80000046;
	[dreg:$0x1] =	wrdreg $0xFFFFFFFF  }
0xa7: {  	s28 =	simm.s32 $_size_execute0_lowered;
	s3 =	sadd.s32 s3, s5;
	[dreg:$0x0] =	wrdreg $0x0  }
0xa8: {  	s5 =	sshll.u32 s28, $0x1;
	[dreg:$0x2] =	wrdreg s3  }
0xa9: {  	[dreg:$0x3] =	wrdreg s5  }
0xaa: {  	[dreg:$0x4] =	wrdreg $0xC0  }
0xab: {  	_ =	task [dreg:s7], $0x5FFFF  }
0xac: {  	[dreg:$0x1] =	wrdreg $0xFFFFFFFF  }
0xad: {  	[dreg:$0x0] =	wrdreg $0x60  }
0xae: {  	[dreg:$0x2] =	wrdreg s24  }
0xaf: {  	[dreg:$0x3] =	wrdreg s2  }
0xb0: {  	[dreg:$0x4] =	wrdreg $0xA8000  }
0xb1: {  	[dreg:$0x5] =	wrdreg $0x9  }
0xb2: {  	_ =	task.clear_ibuf [dreg:s7], $0x6FFFF;
	_ =	strace $0x90000046  }
0xb3: {  	s29 =	simm.s32 $0x9;
	_ =	strace $0x80000048  }
0xb4: {  	_ =	swait.ge [sflag:s29], $0x1  }
0xb5: {  	[sflag:s29] =	ssyncadd.s32 $0xFFFFFFFF  }
0xb6: {  	_ =	strace $0x90000048  }
0xb7: {  	_ =	sfence  }
0xb8: {  	s30 =	sld [smem:$0x0];
	_ =	sdelay $0x2  }
0xb9: {  	s31 =	sshll.u32 s1, $0xD;
	s1 =	sshrl.u32 s1, $0x2  }
0xba: {  	s3 =	sand.u32 $0x4000, s31;
	s1 =	sadd.s32 s1, s30  }
0xbb: {  	s0 =	sor.u32 s3, s0;
	s1 =	sshll.u32 s1, $0x11  }
0xbc: {  	s0 =	sor.u32 s1, s0  }
0xbd: {  	s0 =	sadd.s32 $0x8F2B, s0  }
0xbe: {  	[sflag:s0] =	ssyncadd.remote.s32 $0x1  }
0xbf: {  	_ =	sfence.sel $0xFFFF  }
0xc0: {  	[dreg:$0x0] =	wrdreg $0xFFFFFFFF;
	(pc) =	sbr.abs _section_cstart, $3  }
0xc1: {  	[dreg:$0x1] =	wrdreg $0xFFFFFFFF  }
0xc2: {  	_ =	task.clear_ibuf [dreg:s7], $0x2FFFF;
	_ =	strace $0x9FFFFFFF  }
0xc3: {  	(tm) =	ssettm $0x7FFFFFFF  }
tec
execute0_lowered:
.L_overlay_start_1:
0x0: {  	(tag) =	ssettag $0x1  }
0x1: {  	s6 =	rddreg [dreg:$0x0]  }
0x2: {  	s7 =	rddreg [dreg:$0x1]  }
0x3: {  	s1 =	rddreg [dreg:$0x2]  }
0x4: {  	s0 =	rddreg [dreg:$0x3];
	s2 =	simm.s32 $0x0;
	s3 =	srdreg.scid  }
0x5: {  	s15 =	simm.s32 $0x80;
	s16 =	simm.s32 $0x1;
	s17 =	simm.s32 $0x0  }
0x6: {  	[smem:$0x7FF] =	sst s2;
	s9 =	sand.u32 $0x1, s3;
	s3 =	stileid.u32  }
0x7: {  	s8 =	sadd.s32 $0x3C00, s6;
	s4 =	sadd.s32 $0x10C00, s6;
	s13 =	smul.u32 $0x3400, s3  }
0x8: {  	s5 =	sadd.s32 $0x13400, s6;
	s10 =	sadd.s32 $0x13C00, s6;
	s28 =	smul.u32 $0x50000, s3  }
0x9: {  	s12 =	sadd.s32 $0x3BC00, s6;
	_ =	strace $0x80000047;
	s29 =	smul.u32 $0x680, s3  }
0xa: {  	s11 =	ssub.s32 $0x2, s9;
	p0 =	seq.s32 s9, $0x0;
	s30 =	smul.u32 $0x2800, s3  }
0xb: {  	s31 =	sshll.u32 s3, $0x6;
	s26 =	sshrl.u32 s11, $0x1;
	s7 =	smov.u32 @p0 s8  }
0xc: {  	s12 =	smov.u32 @p0 s10;
	s10 =	simm.s32 $0x2;
	s6 =	ssub.s32 s11, s26  }
0xd: {  	s13 =	sshrl.u32 s13, $0x3;
	s9 =	sshrl.u32 s28, $0x2;
	s11 =	simm.s32 $0x3400  }
0xe: {  	s8 =	sadd.s32 s7, s13;
	s14 =	sadd.s32 s9, s1;
	s6 =	smax.u32 s6, $0x1  }
0xf: {  	s7 =	sadd.s32 s7, s29;
	s9 =	sadd.s32 s12, s30;
	s12 =	simm.s32 $0x6800  }
0x10: {  	s13 =	sor.u32 $0x1C02, s31;
	s8 =	sadd.s32 $0x6800, s8;
	s14 =	sshrl.u32 s14, $0x3  }
.LBB2_1:
0x11: {  	[tilespmem:s2], [sflag:$0x2] =	stream.linear.gather [hbm4b:s7+s2], $0x3400, $0x38;
	[tilespmem:$0x1E800] =	vst v63  }
0x12: {  	_ =	swait.ge [sflag:s10], $0x3400  }
0x13: {  	[sflag:s10] =	ssyncset.done $0x0  }
0x14: {  	[sflag:s10] =	ssyncadd.s32 $0xFFFFCC00  }
0x15: {  	[tilespmem:s11], [sflag:$0x2] =	stream.linear.gather [hbm4b:s8+s2], $0x3400, $0x38;
	[tilespmem:$0x1E800] =	vst v63  }
0x16: {  	_ =	swait.ge [sflag:s10], $0x3400  }
0x17: {  	[sflag:s10] =	ssyncset.done $0x0  }
0x18: {  	[sflag:s10] =	ssyncadd.s32 $0xFFFFCC00  }
0x19: {  	[tilespmem:s12], [sflag:$0x2] =	stream.linear.gather [hbm4b:s5+s2], $0x4000, $0x38;
	[tilespmem:$0x1E800] =	vst v63  }
0x1a: {  	_ =	swait.ge [sflag:s10], $0x4000  }
0x1b: {  	[sflag:s10] =	ssyncset.done $0x0  }
0x1c: {  	[sflag:s10] =	ssyncadd.s32 $0xFFFFC000  }
0x1d: {  	[spmem:s14], [sflag:s13] =	dma.local [hbm:s4], $0x2800  }
0x1e: {  	_ =	swait.ge [sflag:s10], $0x2800  }
0x1f: {  	[sflag:s10] =	ssyncset.done $0x0  }
0x20: {  	p0 =	por $0x1, $0x1;
	[sflag:s10] =	ssyncadd.s32 $0xFFFFD800  }
0x21: {  	s19 =	simm.s32 @!p0 $0x1;
	[bflag:$0x0] =	sbarrier.arrive $0xFFFF  }
0x22: {  	_ =	swait.ge @!p0 [sflag:s19], $0x4000  }
0x23: {  	s18 =	simm.s32 $0x1;
	[sflag:s19] =	ssyncset.done @!p0 $0x0  }
0x24: {  	s20 =	simm.s32 $0x0;
	[sflag:s19] =	ssyncadd.s32 @!p0 $0xFFFFC000;
	s19 =	simm.s32 $0x80  }
.LBB2_2:
0x25: {  	[spmem:s1] =	stream.indirect.scatter.add.f32 [tilespmem:s12], [sflag:$0x1], $0x80, s20, s15, $0xb8;
	[tilespmem:$0x1E800] =	vst v63  }
0x26: {  	p0 =	slt.u32 s18, $0x8;
	s18 =	sadd.s32 $0x1, s18  }
0x27: {  	p1 =	sne.s32 s18, $0xA0  }
.Ltmp0:
0x28: {  	(pc) =	sbr.rel @p1 .LBB2_2-.Ltmp0, $4  }
0x29: {  	s20 =	smov.u32 s19;
	s21 =	simm.s32 @!p0 $0x1  }
0x2a: {  	_ =	swait.ge @!p0 [sflag:s21], $0x4000  }
0x2b: {  	[sflag:s21] =	ssyncset.done @!p0 $0x0  }
0x2c: {  	s19 =	sadd.s32 $0x80, s19;
	[sflag:s21] =	ssyncadd.s32 @!p0 $0xFFFFC000  }
0x2d: {  	[spmem:s1] =	stream.indirect.scatter.add.f32 [tilespmem:s12], [sflag:$0x1], $0x80, s20, s15, $0xb8;
	[tilespmem:$0x1E800] =	vst v63  }
0x2e: {  	_ =	swait.ge [sflag:s16], $0x4000  }
0x2f: {  	[sflag:s16] =	ssyncset.done $0x0  }
0x30: {  	[sflag:s16] =	ssyncadd.s32 $0xFFFFC000  }
0x31: {  	_ =	swait.ge [sflag:s16], $0x4000  }
0x32: {  	[sflag:s16] =	ssyncset.done $0x0  }
0x33: {  	[sflag:s16] =	ssyncadd.s32 $0xFFFFC000  }
0x34: {  	_ =	swait.ge [sflag:s16], $0x4000  }
0x35: {  	[sflag:s16] =	ssyncset.done $0x0  }
0x36: {  	[sflag:s16] =	ssyncadd.s32 $0xFFFFC000  }
0x37: {  	_ =	swait.ge [sflag:s16], $0x4000  }
0x38: {  	[sflag:s16] =	ssyncset.done $0x0  }
0x39: {  	[sflag:s16] =	ssyncadd.s32 $0xFFFFC000  }
0x3a: {  	_ =	swait.ge [sflag:s16], $0x4000  }
0x3b: {  	[sflag:s16] =	ssyncset.done $0x0  }
0x3c: {  	[sflag:s16] =	ssyncadd.s32 $0xFFFFC000  }
0x3d: {  	_ =	swait.ge [sflag:s16], $0x4000  }
0x3e: {  	[sflag:s16] =	ssyncset.done $0x0  }
0x3f: {  	[sflag:s16] =	ssyncadd.s32 $0xFFFFC000  }
0x40: {  	_ =	swait.ge [sflag:s16], $0x4000  }
0x41: {  	[sflag:s16] =	ssyncset.done $0x0  }
0x42: {  	[sflag:s16] =	ssyncadd.s32 $0xFFFFC000  }
0x43: {  	_ =	swait.ge [sflag:s16], $0x4000  }
0x44: {  	s17 =	sadd.s32 $0x1, s17;
	[sflag:s16] =	ssyncset.done $0x0  }
0x45: {  	p0 =	sne.s32 s17, s6;
	[sflag:s16] =	ssyncadd.s32 $0xFFFFC000  }
.Ltmp1:
0x46: {  	[bflag:$0x0] =	sbarrier.arrive $0xFFFF;
	(pc) =	sbr.rel @p0 .LBB2_1-.Ltmp1, $4  }
0x47: {  	[hbm:s9], [sflag:s13] =	dma.local [spmem:s14], $0x2800  }
0x48: {  	_ =	swait.ge [sflag:s10], $0x2800  }
0x49: {  	[sflag:s10] =	ssyncset.done $0x0  }
0x4a: {  	[sflag:s10] =	ssyncadd.s32 $0xFFFFD800  }
0x4b: {  	_ =	sfence.sel $0x180000  }
0x4c: {  	[bflag:$0x0] =	sbarrier.arrive $0xFFFF  }
0x4d: {  	p0 =	sne.s32 s3, $0x0;
	_ =	strace $0x90000047  }
0x4e: {  	s0 =	sadd.s32 @!p0 $0x100000, s0;
	[bflag:$0x2] =	sbarrier.arrive $0xFFFF  }
0x4f: {  	[sflag:s0] =	ssyncadd.tile.s32 @!p0 $0x1;
	_ =	shalt  }
.Lfunc_end2:
_tile_overlayer_lowered:
.L_overlay_start_2:
0x50: {  	(tag) =	ssettag $0x2  }
0x51: {  	s0 =	rddreg [dreg:$0x0];
	s2 =	stileid.u32  }
0x52: {  	s1 =	rddreg [dreg:$0x1];
	p0 =	sne.s32 s2, $0x0  }
0x53: {  	s3 =	rddreg [dreg:$0x2];
	[bflag:$0x3] =	sbarrier.arrive $0xFFFF;
	s2 =	simm.s32 @!p0 $0x1C02  }
0x54: {  	[timem:s3], [sflag:s2] =	dma.local @!p0 [hbm:s0], s1  }
0x55: {  	s0 =	simm.s32 @!p0 $0x2  }
0x56: {  	_ =	swait.ge @!p0 [sflag:s0], s1  }
0x57: {  	s1 =	ssub.s32 @!p0 $0x0, s1;
	[sflag:s0] =	ssyncset.done @!p0 $0x0  }
0x58: {  	[sflag:s0] =	ssyncadd.s32 @!p0 s1  }
0x59: {  	[bflag:$0x3] =	sbarrier.arrive $0xFFFF  }
0x5a: {  	_ =	shalt  }

// kernel: kernel.13.cloned.1.call-start
scs
__scs_entry_jumppad:
0x0: {  	(pc) =	sbr.rel $0x88, $3  }
0x1: {  	(tag) =	ssettag $0x0;
	lr =	simm.s32 $0x1  }
0x2: {  	[smem:$0x3F9B] =	sst lr;
	_ =	strace $0xD0000000  }
0x3: {  	_ = 	snop  }
0x4: {  	_ = 	snop  }
0x5: {  	_ = 	snop  }
0x6: {  	_ = 	snop  }
0x7: {  	_ = 	snop  }
__scs_overlays_trampoline_lowered:
0x8: {  	[smem:$0x3FAA] =	sst s0  }
0x9: {  	[smem:$0x3FAB] =	sst s1  }
0xa: {  	[smem:$0x3FAC] =	sst s2  }
0xb: {  	[smem:$0x3FAD] =	sst s3  }
0xc: {  	[smem:$0x3FAE] =	sst s4  }
0xd: {  	[smem:$0x3FAF] =	sst s5  }
0xe: {  	[smem:$0x3FB0] =	sst s6  }
0xf: {  	[smem:$0x3FB1] =	sst s7  }
0x10: {  	[smem:$0x3FB2] =	sst s8  }
0x11: {  	[smem:$0x3FB3] =	sst s9;
	s0 =	simm.s32 @!p0 $0x0  }
0x12: {  	s1 =	sld [smem:$0x3F99];
	s0 =	simm.s32 @p0 $0x1  }
0x13: {  	[smem:$0x3FB4] =	sst s0;
	s0 =	simm.s32 @!p1 $0x0  }
0x14: {  	s2 =	sld [smem:$0x3F98];
	s0 =	simm.s32 @p1 $0x1  }
0x15: {  	[smem:$0x3FB5] =	sst s0;
	s0 =	simm.s32 @!p2 $0x0  }
0x16: {  	s3 =	sld [smem:$0x3FDB];
	s0 =	simm.s32 @p2 $0x1  }
0x17: {  	s4 =	simm.s32 $0x1BF5;
	[smem:$0x3FB7] =	sst s0  }
0x18: {  	s0 =	sld [smem:$0x3F9A];
	_ =	swait.ge [sflag:s4], $0x0  }
0x19: {  	s7 =	sld [smem:$0x3F9B]  }
0x1a: {  	s8 =	sadd.s32 $0xFFFFE003, lr  }
0x1b: {  	s9 =	sadd.s32 $0xFFFFFEF7, lr;
	s5 =	simm.s32 $0xFFFFFFFF;
	p2 =	slt.u32 s8, $0xFFFFF086  }
0x1c: {  	p1 =	slt.u32 s9, $0xF7A;
	s5 =	simm.s32 @!p2 $0x0  }
0x1d: {  	s5 =	simm.s32 @p1 $0x1;
	p0 =	seq.s32 s7, s2  }
0x1e: {  	s7 =	smul.u32 @!p0 $0xF7A, s2;
	p2 =	seq.s32 @!p0 s5, $0x0  }
0x1f: {  	s9 =	smul.u32 $0xF7A, s1;
	s8 =	simm.s32 @!p0 $0x1BF5;
	p2 =	por !p2, p0  }
0x20: {  	[sflag:s8] =	ssyncset.s32 @!p0 $0xFFFFF086;
	s6 =	sadd.s32 @!p0 s3, s7;
	s7 =	simm.s32 @!p0 $0x108  }
0x21: {  	s3 =	sadd.s32 s3, s9;
	s6 =	sadd.s32 @!p0 $0x88, s6;
	s7 =	simm.s32 @p2 $0x1082  }
0x22: {  	[simem:s7], [sflag:s8] =	dma.local @!p0 [hbm:s6], $0xF7A  }
0x23: {  	s9 =	sor.u32 $0xD0000000, s2;
	s6 =	simm.s32 $0x108;
	_ =	swait.ge @!p0 [sflag:s8], $0x0  }
0x24: {  	s3 =	sadd.s32 $0x88, s3;
	s6 =	simm.s32 @!p1 $0x1082;
	[sflag:s4] =	ssyncset.s32 $0xFFFFF086  }
0x25: {  	[simem:s6], [sflag:s4] =	dma.local [hbm:s3], $0xF7A  }
0x26: {  	[smem:$0x3F9B] =	sst s1;
	(tag) =	ssettag s2;
	_ =	strace s9  }
0x27: {  	s1 =	sld [smem:$0x3FAB]  }
0x28: {  	s2 =	sld [smem:$0x3FAC]  }
0x29: {  	s4 =	sld [smem:$0x3FAE]  }
0x2a: {  	p0 =	seq.s32 s5, $0x0;
	s5 =	sld [smem:$0x3FAF]  }
0x2b: {  	s6 =	sld [smem:$0x3FB0]  }
0x2c: {  	s7 =	sld [smem:$0x3FB1]  }
0x2d: {  	s3 =	simm.s32 $0x108;
	s8 =	sld [smem:$0x3FB2]  }
0x2e: {  	s3 =	simm.s32 @!p0 $0x1082;
	s9 =	sld [smem:$0x3FB3]  }
0x2f: {  	lr =	sadd.s32 s0, s3;
	s0 =	sld [smem:$0x3FAA]  }
0x30: {  	s3 =	sld [smem:$0x3FAD]  }
0x31: {  	[smem:$0x3FB6] =	sst s10  }
0x32: {  	s10 =	sld [smem:$0x3FB4];
	_ =	sdelay $0x3  }
0x33: {  	p0 =	seq.s32 s10, $0x1;
	s10 =	sld [smem:$0x3FB6];
	_ =	sdelay $0x3  }
0x34: {  	[smem:$0x3FB6] =	sst s10  }
0x35: {  	s10 =	sld [smem:$0x3FB5];
	_ =	sdelay $0x3  }
0x36: {  	p1 =	seq.s32 s10, $0x1;
	s10 =	sld [smem:$0x3FB6];
	_ =	sdelay $0x3  }
0x37: {  	[smem:$0x3FB6] =	sst s10  }
0x38: {  	s10 =	sld [smem:$0x3FB7]  }
0x39: {  	_ = 	snop;
	(pc) =	sbr.ind lr, $3  }
0x3a: {  	_ = 	snop  }
0x3b: {  	_ = 	snop  }
0x3c: {  	p2 =	seq.s32 s10, $0x1;
	s10 =	sld [smem:$0x3FB6]  }
0x3d: {  	_ =	shalt  }
0x3e: {  	_ =	shalt  }
0x3f: {  	_ =	shalt  }
0x40: {  	_ =	shalt  }
0x41: {  	_ =	shalt  }
0x42: {  	_ =	shalt  }
0x43: {  	_ =	shalt  }
0x44: {  	_ =	shalt  }
0x45: {  	_ =	shalt  }
0x46: {  	_ =	shalt  }
0x47: {  	_ =	shalt  }
0x48: {  	_ =	shalt  }
0x49: {  	_ =	shalt  }
0x4a: {  	_ =	shalt  }
0x4b: {  	_ =	shalt  }
0x4c: {  	_ =	shalt  }
0x4d: {  	_ =	shalt  }
0x4e: {  	_ =	shalt  }
0x4f: {  	_ =	shalt  }
0x50: {  	_ =	shalt  }
0x51: {  	_ =	shalt  }
0x52: {  	_ =	shalt  }
0x53: {  	_ =	shalt  }
0x54: {  	_ =	shalt  }
0x55: {  	_ =	shalt  }
0x56: {  	_ =	shalt  }
0x57: {  	_ =	shalt  }
0x58: {  	_ =	shalt  }
0x59: {  	_ =	shalt  }
0x5a: {  	_ =	shalt  }
0x5b: {  	_ =	shalt  }
0x5c: {  	_ =	shalt  }
0x5d: {  	_ =	shalt  }
0x5e: {  	_ =	shalt  }
0x5f: {  	_ =	shalt  }
0x60: {  	_ =	shalt  }
0x61: {  	_ =	shalt  }
0x62: {  	_ =	shalt  }
0x63: {  	_ =	shalt  }
0x64: {  	_ =	shalt  }
0x65: {  	_ =	shalt  }
0x66: {  	_ =	shalt  }
0x67: {  	_ =	shalt  }
0x68: {  	_ =	shalt  }
0x69: {  	_ =	shalt  }
0x6a: {  	_ =	shalt  }
0x6b: {  	_ =	shalt  }
0x6c: {  	_ =	shalt  }
0x6d: {  	_ =	shalt  }
0x6e: {  	_ =	shalt  }
0x6f: {  	_ =	shalt  }
0x70: {  	_ =	shalt  }
0x71: {  	_ =	shalt  }
0x72: {  	_ =	shalt  }
0x73: {  	_ =	shalt  }
0x74: {  	_ =	shalt  }
0x75: {  	_ =	shalt  }
0x76: {  	_ =	shalt  }
0x77: {  	_ =	shalt  }
0x78: {  	_ =	shalt  }
0x79: {  	_ =	shalt  }
0x7a: {  	_ =	shalt  }
0x7b: {  	_ =	shalt  }
0x7c: {  	_ =	shalt  }
0x7d: {  	_ =	shalt  }
0x7e: {  	_ =	shalt  }
0x7f: {  	_ =	shalt  }
0x80: {  	_ =	shalt  }
0x81: {  	_ =	shalt  }
0x82: {  	_ =	shalt  }
0x83: {  	_ =	shalt  }
0x84: {  	_ =	shalt  }
0x85: {  	_ =	shalt  }
0x86: {  	_ =	shalt  }
0x87: {  	_ =	shalt  }
.Lfunc_end0:
.L_simem_size_0:
called_computation.1_lowered:
.L_overlay_start_0:
0x88: {  	s2 =	sld [smem:$0x3FD9]  }
0x89: {  	s3 =	sld [smem:$0x3FFE];
	_ =	sdelay $0x1  }
0x8a: {  	s1 =	srdreg.scid  }
0x8b: {  	s0 =	sand.u32 $0x1, s1  }
0x8c: {  	s17 =	sshll.u32 s0, $0xA;
	s2 =	sadd.s32 s3, s2  }
0x8d: {  	s2 =	sadd.s32 s2, s17  }
0x8e: {  	[smem:$0x3FC2] =	sst s2  }
0x8f: {  	_ = 	snop  }
0x90: {  	s18 =	sld [smem:$0x3FD0];
	(tm) =	ssettm $0x1  }
0x91: {  	s19 =	sld [smem:$0x3FFB];
	_ =	sdelay $0x3  }
0x92: {  	_ =	strace s19  }
0x93: {  	s2 =	sld [smem:$0x3FFC];
	_ =	sdelay $0x3  }
0x94: {  	_ =	strace s2  }
0x95: {  	s2 =	sld [smem:$0x3FFD];
	_ =	sdelay $0x3  }
0x96: {  	_ =	strace s2  }
0x97: {  	_ =	strace $0x8FFFFFFF  }
0x98: {  	s20 =	sld [smem:$0x3FDB];
	_ =	sdelay $0x1  }
0x99: {  	s4 =	simm.s32 $_scs_section_size  }
0x9a: {  	s5 =	simm.s32 $_size__tile_overlayer_lowered;
	s6 =	simm.s32 $_tile_overlayer_lowered  }
0x9b: {  	s7 =	simm.s32 $0x1BFF;
	s21 =	sshll.u32 s6, $0x1;
	s4 =	sadd.s32 s4, s20  }
0x9c: {  	s22 =	simm.s32 $0x0;
	s5 =	sshll.u32 s5, $0x1;
	s6 =	sadd.s32 s21, s4  }
0x9d: {  	[timem:s22], [sflag:s7] =	dma.local [hbm:s6], s5  }
0x9e: {  	_ =	swait.ge [sflag:s7], s5  }
0x9f: {  	s5 =	ssub.s32 $0x0, s5;
	[sflag:s7] =	ssyncset.done $0x0  }
0xa0: {  	[sflag:s7] =	ssyncadd.s32 s5;
	_ =	sdelay $0x1  }
0xa1: {  	s23 =	simm.s32 $0x1B8B  }
0xa2: {  	_ =	swait.ge [sflag:s23], $0x1  }
0xa3: {  	[sflag:s23] =	ssyncset.done $0x0  }
0xa4: {  	[sflag:s23] =	ssyncadd.s32 $0xFFFFFFFF  }
0xa5: {  	s5 =	sld [smem:$0x0]  }
0xa6: {  	s6 =	sand.u32 $0xFFFFFFFE, s1  }
0xa7: {  	p0 =	sne.s32 s1, s6  }
0xa8: {  	s6 =	sshll.u32 @p0 s6, $0xE  }
0xa9: {  	s6 =	sadd.s32 @p0 $0x11B8D, s6;
	s7 =	sshll.u32 @p0 s5, $0x11  }
0xaa: {  	s6 =	sor.u32 @p0 s7, s6  }
0xab: {  	[sflag:s6] =	ssyncadd.remote.s32 @p0 $0x1;
	_ =	sdelay $0x1  }
0xac: {  	s6 =	simm.s32 @p0 $0x1B8D  }
0xad: {  	_ =	swait.eq @p0 [sflag:s6], $0x1  }
0xae: {  	[sflag:s6] =	ssyncadd.s32 @p0 $0xFFFFFFFF  }
0xaf: {  	s7 =	sshll.u32 @!p0 s1, $0xE  }
0xb0: {  	s7 =	sor.u32 @!p0 $0x4000, s7;
	s6 =	simm.s32 @!p0 $0x1B8D  }
0xb1: {  	s5 =	sshll.u32 @!p0 s5, $0x11;
	s7 =	sadd.s32 @!p0 $0x11B8D, s7;
	_ =	swait.eq @!p0 [sflag:s6], $0x1  }
0xb2: {  	s5 =	sor.u32 @!p0 s5, s7;
	[sflag:s6] =	ssyncadd.s32 @!p0 $0xFFFFFFFF  }
0xb3: {  	s25 =	simm.s32 $0x1B8E;
	s24 =	sld [smem:$0x3FFE];
	[sflag:s5] =	ssyncadd.remote.s32 @!p0 $0x1  }
0xb4: {  	s26 =	simm.s32 $execute0_lowered;
	[smem:$0x3FD2] =	sst s25  }
0xb5: {  	s6 =	sshll.u32 s26, $0x1;
	_ =	strace $0x80000049;
	[dreg:$0x1] =	wrdreg $0xFFFFFFFF  }
0xb6: {  	s28 =	simm.s32 $_size_execute0_lowered;
	s4 =	sadd.s32 s4, s6;
	[dreg:$0x0] =	wrdreg $0x0  }
0xb7: {  	s6 =	sshll.u32 s28, $0x1;
	[dreg:$0x2] =	wrdreg s4  }
0xb8: {  	[dreg:$0x3] =	wrdreg s6  }
0xb9: {  	[dreg:$0x4] =	wrdreg $0xC0  }
0xba: {  	_ =	task [dreg:s22], $0x5FFFF  }
0xbb: {  	[dreg:$0x1] =	wrdreg $0xFFFFFFFF  }
0xbc: {  	[dreg:$0x0] =	wrdreg $0x60  }
0xbd: {  	[dreg:$0x2] =	wrdreg s24  }
0xbe: {  	[dreg:$0x3] =	wrdreg s18  }
0xbf: {  	[dreg:$0x4] =	wrdreg $0xA8000  }
0xc0: {  	[dreg:$0x5] =	wrdreg $0xA  }
0xc1: {  	_ =	task.clear_ibuf [dreg:s22], $0x6FFFF;
	_ =	strace $0x90000049  }
0xc2: {  	s29 =	simm.s32 $0xA;
	_ =	strace $0x8000004B  }
0xc3: {  	_ =	swait.ge [sflag:s29], $0x1  }
0xc4: {  	[sflag:s29] =	ssyncadd.s32 $0xFFFFFFFF  }
0xc5: {  	_ =	strace $0x9000004B  }
0xc6: {  	_ =	sfence  }
0xc7: {  	s30 =	sld [smem:$0x0];
	_ =	sdelay $0x2  }
0xc8: {  	s31 =	sshll.u32 s1, $0xD;
	s1 =	sshrl.u32 s1, $0x2  }
0xc9: {  	s4 =	sand.u32 $0x4000, s31;
	s1 =	sadd.s32 s1, s30  }
0xca: {  	s0 =	sor.u32 s4, s0;
	s1 =	sshll.u32 s1, $0x11  }
0xcb: {  	s0 =	sor.u32 s1, s0  }
0xcc: {  	s0 =	sadd.s32 $0x8F2B, s0  }
0xcd: {  	[sflag:s0] =	ssyncadd.remote.s32 $0x1  }
0xce: {  	_ =	sfence.sel $0xFFFF  }
0xcf: {  	[dreg:$0x0] =	wrdreg $0xFFFFFFFF;
	(pc) =	sbr.abs _section_cstart, $3  }
0xd0: {  	[dreg:$0x1] =	wrdreg $0xFFFFFFFF  }
0xd1: {  	_ =	task.clear_ibuf [dreg:s22], $0x2FFFF;
	_ =	strace $0x9FFFFFFF  }
0xd2: {  	(tm) =	ssettm $0x7FFFFFFF  }
0xd3: {  	_ =	shalt  }
tec
execute0_lowered:
.L_overlay_start_1:
0x0: {  	(tag) =	ssettag $0x1  }
0x1: {  	s6 =	rddreg [dreg:$0x0]  }
0x2: {  	s0 =	srdreg.scid;
	s7 =	rddreg [dreg:$0x1]  }
0x3: {  	s2 =	rddreg [dreg:$0x2];
	s3 =	simm.s32 $0x0;
	s14 =	simm.s32 $0x80  }
0x4: {  	s15 =	simm.s32 $0x6800;
	s17 =	sand.u32 $0x1, s0;
	s0 =	stileid.u32  }
0x5: {  	s16 =	simm.s32 $0x1;
	[smem:$0x7FF] =	sst s3;
	s5 =	smul.u32 $0x140000, s17  }
0x6: {  	s4 =	sadd.s32 $0x63C00, s6;
	s1 =	sshll.u32 s17, $0x4;
	s9 =	smul.u32 $0x14000, s0  }
0x7: {  	s11 =	ssub.s32 $0x2, s17;
	s12 =	smul.u32 $0x50000, s0;
	s31 =	sshll.u32 s0, $0x6  }
0x8: {  	p0 =	sne.s32 s17, $0x0;
	s17 =	simm.s32 $0x0;
	s1 =	sor.u32 s0, s1  }
0x9: {  	s13 =	sshrl.u32 s11, $0x1;
	s8 =	smul.u32 $0x680, s1;
	s1 =	rddreg [dreg:$0x3]  }
0xa: {  	_ =	strace $0x8000004A;
	s9 =	sadd.s32 s9, s5;
	s5 =	sadd.s32 $0x10C00, s6  }
.Ltmp0:
0xb: {  	s11 =	ssub.s32 s11, s13;
	s12 =	sshrl.u32 s12, $0x2;
	(pc) =	sbr.rel .LBB2_1-.Ltmp0, $4  }
0xc: {  	s9 =	sshrl.u32 s9, $0x3;
	s30 =	sadd.s32 s12, s2;
	s12 =	sor.u32 $0x1C02, s31  }
0xd: {  	s10 =	sadd.s32 s8, s6;
	s9 =	sadd.s32 s9, s6;
	s7 =	sadd.s32 s7, s8  }
0xe: {  	s13 =	sshrl.u32 s30, $0x3;
	s6 =	sadd.s32 $0x3C00, s10;
	s8 =	sadd.s32 $0x8BC00, s9  }
0xf: {  	s9 =	smax.u32 s11, $0x1;
	s10 =	simm.s32 $0x2;
	s11 =	simm.s32 $0x3400  }
.LBB2_6:
0x10: {  	s19 =	sadd.s32 $0x1C00, s18;
	[sflag:s10] =	ssyncadd.s32 $0xFFFFC000  }
0x11: {  	[tilespmem:s15], [sflag:$0x1] =	stream.indirect.gather [hbm4b:s4+s14], $0x80, s19, s14, $0xb8;
	[tilespmem:$0x1E800] =	vst v63  }
0x12: {  	_ =	swait.ge [sflag:s16], $0x4000  }
0x13: {  	[sflag:s16] =	ssyncset.done $0x0  }
0x14: {  	s31 =	sadd.s32 $0x5000, s18;
	[sflag:s16] =	ssyncadd.s32 $0xFFFFC000  }
0x15: {  	[spmem:s2] =	stream.indirect.scatter.add.f32 [tilespmem:s15], [sflag:$0x2], $0x80, s31, s14, $0xb8;
	[tilespmem:$0x1E800] =	vst v63  }
0x16: {  	_ =	swait.ge [sflag:s10], $0x4000  }
0x17: {  	[sflag:s10] =	ssyncset.done $0x0  }
0x18: {  	[sflag:s10] =	ssyncadd.s32 $0xFFFFC000  }
.LBB2_7:
0x19: {  	s17 =	sadd.s32 $0x1, s17  }
0x1a: {  	p1 =	sne.s32 s17, s9  }
.Ltmp1:
0x1b: {  	[bflag:$0x0] =	sbarrier.arrive $0xFFFF;
	(pc) =	sbr.rel @!p1 .LBB2_8-.Ltmp1, $4  }
0x1c: {  	[hbm:s8], [sflag:s12] =	dma.local [spmem:s13], $0x2800  }
0x1d: {  	_ =	swait.ge [sflag:s10], $0x2800  }
0x1e: {  	[sflag:s10] =	ssyncset.done $0x0  }
0x1f: {  	[sflag:s10] =	ssyncadd.s32 $0xFFFFD800  }
.LBB2_1:
0x20: {  	[tilespmem:s3], [sflag:$0x2] =	stream.linear.gather [hbm4b:s6+s3], $0x3400, $0x38;
	[tilespmem:$0x1E800] =	vst v63  }
0x21: {  	_ =	swait.ge [sflag:s10], $0x3400  }
0x22: {  	[sflag:s10] =	ssyncset.done $0x0  }
0x23: {  	[sflag:s10] =	ssyncadd.s32 $0xFFFFCC00  }
0x24: {  	[tilespmem:s11], [sflag:$0x2] =	stream.linear.gather [hbm4b:s7+s3], $0x3400, $0x38;
	[tilespmem:$0x1E800] =	vst v63  }
0x25: {  	_ =	swait.ge [sflag:s10], $0x3400  }
0x26: {  	[sflag:s10] =	ssyncset.done $0x0  }
0x27: {  	[sflag:s10] =	ssyncadd.s32 $0xFFFFCC00  }
0x28: {  	[spmem:s13], [sflag:s12] =	dma.local [hbm:s5], $0x2800  }
0x29: {  	_ =	swait.ge [sflag:s10], $0x2800  }
0x2a: {  	[sflag:s10] =	ssyncset.done $0x0  }
0x2b: {  	[sflag:s10] =	ssyncadd.s32 $0xFFFFD800  }
0x2c: {  	s18 =	simm.s32 $0x0;
	[bflag:$0x0] =	sbarrier.arrive $0xFFFF  }
0x2d: {  	[tilespmem:s15], [sflag:$0x1] =	stream.indirect.gather [hbm4b:s4+s14], $0x80, s18, s14, $0xb8;
	[tilespmem:$0x1E800] =	vst v63  }
0x2e: {  	_ =	swait.ge [sflag:s16], $0x4000  }
0x2f: {  	[sflag:s16] =	ssyncset.done $0x0  }
0x30: {  	s31 =	simm.s32 $0x3400;
	[sflag:s16] =	ssyncadd.s32 $0xFFFFC000  }
0x31: {  	[spmem:s2] =	stream.indirect.scatter.add.f32 [tilespmem:s15], [sflag:$0x2], $0x80, s31, s14, $0xb8;
	[tilespmem:$0x1E800] =	vst v63  }
0x32: {  	_ =	swait.ge [sflag:s10], $0x4000  }
0x33: {  	s19 =	simm.s32 $0x400;
	s18 =	simm.s32 $0x200;
	[sflag:s10] =	ssyncset.done $0x0  }
.LBB2_2:
0x34: {  	s20 =	sshra.s32 s18, $0x2  }
0x35: {  	[sflag:s10] =	ssyncadd.s32 $0xFFFFC000;
	s18 =	smov.u32 s19;
	s21 =	sadd.s32 $0x200, s19  }
0x36: {  	[tilespmem:s15], [sflag:$0x1] =	stream.indirect.gather [hbm4b:s4+s14], $0x80, s20, s14, $0xb8;
	[tilespmem:$0x1E800] =	vst v63  }
0x37: {  	p1 =	sne.s32 s19, $0x6E00;
	_ =	swait.ge [sflag:s16], $0x4000  }
.Ltmp2:
0x38: {  	[sflag:s16] =	ssyncset.done $0x0;
	(pc) =	sbr.rel @p1 .LBB2_2-.Ltmp2, $4  }
0x39: {  	s19 =	sadd.s32 $0x3400, s20;
	[sflag:s16] =	ssyncadd.s32 $0xFFFFC000  }
0x3a: {  	[spmem:s2] =	stream.indirect.scatter.add.f32 [tilespmem:s15], [sflag:$0x2], $0x80, s19, s14, $0xb8;
	[tilespmem:$0x1E800] =	vst v63  }
0x3b: {  	_ =	swait.ge [sflag:s10], $0x4000  }
0x3c: {  	s19 =	smov.u32 s21;
	[sflag:s10] =	ssyncset.done $0x0  }
0x3d: {  	s18 =	sshra.s32 s18, $0x2;
	[sflag:s10] =	ssyncadd.s32 $0xFFFFC000  }
0x3e: {  	[tilespmem:s15], [sflag:$0x1] =	stream.indirect.gather [hbm4b:s4+s14], $0x80, s18, s14, $0xb8;
	[tilespmem:$0x1E800] =	vst v63  }
0x3f: {  	_ =	swait.ge [sflag:s16], $0x4000  }
0x40: {  	[sflag:s16] =	ssyncset.done $0x0  }
.Ltmp3:
0x41: {  	s18 =	sadd.s32 $0x3400, s18;
	[sflag:s16] =	ssyncadd.s32 $0xFFFFC000;
	(pc) =	sbr.rel @p0 .LBB2_7-.Ltmp3, $4  }
0x42: {  	[spmem:s2] =	stream.indirect.scatter.add.f32 [tilespmem:s15], [sflag:$0x2], $0x80, s18, s14, $0xb8;
	[tilespmem:$0x1E800] =	vst v63  }
0x43: {  	_ =	swait.ge [sflag:s10], $0x4000  }
0x44: {  	[sflag:s10] =	ssyncset.done $0x0  }
0x45: {  	[sflag:s10] =	ssyncadd.s32 $0xFFFFC000  }
0x46: {  	s18 =	simm.s32 $0x1C00  }
0x47: {  	[tilespmem:s15], [sflag:$0x1] =	stream.indirect.gather [hbm4b:s4+s14], $0x80, s18, s14, $0xb8;
	[tilespmem:$0x1E800] =	vst v63  }
0x48: {  	_ =	swait.ge [sflag:s16], $0x4000  }
0x49: {  	[sflag:s16] =	ssyncset.done $0x0  }
0x4a: {  	s31 =	simm.s32 $0x5000;
	[sflag:s16] =	ssyncadd.s32 $0xFFFFC000  }
0x4b: {  	[spmem:s2] =	stream.indirect.scatter.add.f32 [tilespmem:s15], [sflag:$0x2], $0x80, s31, s14, $0xb8;
	[tilespmem:$0x1E800] =	vst v63  }
0x4c: {  	_ =	swait.ge [sflag:s10], $0x4000  }
0x4d: {  	s19 =	simm.s32 $0x400;
	s18 =	simm.s32 $0x80;
	[sflag:s10] =	ssyncset.done $0x0  }
.LBB2_5:
0x4e: {  	s20 =	sadd.s32 $0x1C00, s18  }
0x4f: {  	[sflag:s10] =	ssyncadd.s32 $0xFFFFC000;
	s21 =	smov.u32 s19;
	s22 =	sadd.s32 $0x200, s19  }
0x50: {  	[tilespmem:s15], [sflag:$0x1] =	stream.indirect.gather [hbm4b:s4+s14], $0x80, s20, s14, $0xb8;
	[tilespmem:$0x1E800] =	vst v63  }
0x51: {  	p1 =	sne.s32 s19, $0x5E00;
	_ =	swait.ge [sflag:s16], $0x4000  }
.Ltmp4:
0x52: {  	[sflag:s16] =	ssyncset.done $0x0;
	(pc) =	sbr.rel @p1 .LBB2_5-.Ltmp4, $4  }
0x53: {  	s18 =	sadd.s32 $0x5000, s18;
	[sflag:s16] =	ssyncadd.s32 $0xFFFFC000  }
0x54: {  	[spmem:s2] =	stream.indirect.scatter.add.f32 [tilespmem:s15], [sflag:$0x2], $0x80, s18, s14, $0xb8;
	[tilespmem:$0x1E800] =	vst v63  }
0x55: {  	_ =	swait.ge [sflag:s10], $0x4000  }
0x56: {  	s19 =	smov.u32 s22;
	s18 =	sshra.s32 s21, $0x2;
	[sflag:s10] =	ssyncset.done $0x0  }
.Ltmp5:
0x57: {  	_ = 	snop;
	(pc) =	sbr.rel .LBB2_6-.Ltmp5, $1  }
0x58: {  	_ =	sdelay $0x3  }
.LBB2_8:
0x59: {  	_ =	sfence.sel $0x180000  }
0x5a: {  	[bflag:$0x0] =	sbarrier.arrive $0xFFFF  }
0x5b: {  	p0 =	sne.s32 s0, $0x0;
	_ =	strace $0x9000004A  }
0x5c: {  	s0 =	sadd.s32 @!p0 $0x100000, s1;
	[bflag:$0x2] =	sbarrier.arrive $0xFFFF  }
0x5d: {  	[sflag:s0] =	ssyncadd.tile.s32 @!p0 $0x1;
	_ =	shalt  }
.Lfunc_end2:
_tile_overlayer_lowered:
.L_overlay_start_2:
0x5e: {  	(tag) =	ssettag $0x2  }
0x5f: {  	s0 =	rddreg [dreg:$0x0];
	s2 =	stileid.u32  }
0x60: {  	s1 =	rddreg [dreg:$0x1];
	p0 =	sne.s32 s2, $0x0  }
0x61: {  	s3 =	rddreg [dreg:$0x2];
	[bflag:$0x3] =	sbarrier.arrive $0xFFFF;
	s2 =	simm.s32 @!p0 $0x1C02  }
0x62: {  	[timem:s3], [sflag:s2] =	dma.local @!p0 [hbm:s0], s1  }
0x63: {  	s0 =	simm.s32 @!p0 $0x2  }
0x64: {  	_ =	swait.ge @!p0 [sflag:s0], s1  }
0x65: {  	s1 =	ssub.s32 @!p0 $0x0, s1;
	[sflag:s0] =	ssyncset.done @!p0 $0x0  }
0x66: {  	[sflag:s0] =	ssyncadd.s32 @!p0 s1  }
0x67: {  	[bflag:$0x3] =	sbarrier.arrive $0xFFFF  }
0x68: {  	_ =	shalt  }

// kernel: kernel.16.cloned.1.call-start
scs
__scs_entry_jumppad:
0x0: {  	(pc) =	sbr.rel $0x88, $3  }
0x1: {  	(tag) =	ssettag $0x0;
	lr =	simm.s32 $0x1  }
0x2: {  	[smem:$0x3F9B] =	sst lr;
	_ =	strace $0xD0000000  }
0x3: {  	_ = 	snop  }
0x4: {  	_ = 	snop  }
0x5: {  	_ = 	snop  }
0x6: {  	_ = 	snop  }
0x7: {  	_ = 	snop  }
__scs_overlays_trampoline_lowered:
0x8: {  	[smem:$0x3FAA] =	sst s0  }
0x9: {  	[smem:$0x3FAB] =	sst s1  }
0xa: {  	[smem:$0x3FAC] =	sst s2  }
0xb: {  	[smem:$0x3FAD] =	sst s3  }
0xc: {  	[smem:$0x3FAE] =	sst s4  }
0xd: {  	[smem:$0x3FAF] =	sst s5  }
0xe: {  	[smem:$0x3FB0] =	sst s6  }
0xf: {  	[smem:$0x3FB1] =	sst s7  }
0x10: {  	[smem:$0x3FB2] =	sst s8  }
0x11: {  	[smem:$0x3FB3] =	sst s9;
	s0 =	simm.s32 @!p0 $0x0  }
0x12: {  	s1 =	sld [smem:$0x3F99];
	s0 =	simm.s32 @p0 $0x1  }
0x13: {  	[smem:$0x3FB4] =	sst s0;
	s0 =	simm.s32 @!p1 $0x0  }
0x14: {  	s2 =	sld [smem:$0x3F98];
	s0 =	simm.s32 @p1 $0x1  }
0x15: {  	[smem:$0x3FB5] =	sst s0;
	s0 =	simm.s32 @!p2 $0x0  }
0x16: {  	s3 =	sld [smem:$0x3FDB];
	s0 =	simm.s32 @p2 $0x1  }
0x17: {  	s4 =	simm.s32 $0x1BF5;
	[smem:$0x3FB7] =	sst s0  }
0x18: {  	s0 =	sld [smem:$0x3F9A];
	_ =	swait.ge [sflag:s4], $0x0  }
0x19: {  	s7 =	sld [smem:$0x3F9B]  }
0x1a: {  	s8 =	sadd.s32 $0xFFFFE003, lr  }
0x1b: {  	s9 =	sadd.s32 $0xFFFFFEF7, lr;
	s5 =	simm.s32 $0xFFFFFFFF;
	p2 =	slt.u32 s8, $0xFFFFF086  }
0x1c: {  	p1 =	slt.u32 s9, $0xF7A;
	s5 =	simm.s32 @!p2 $0x0  }
0x1d: {  	s5 =	simm.s32 @p1 $0x1;
	p0 =	seq.s32 s7, s2  }
0x1e: {  	s7 =	smul.u32 @!p0 $0xF7A, s2;
	p2 =	seq.s32 @!p0 s5, $0x0  }
0x1f: {  	s9 =	smul.u32 $0xF7A, s1;
	s8 =	simm.s32 @!p0 $0x1BF5;
	p2 =	por !p2, p0  }
0x20: {  	[sflag:s8] =	ssyncset.s32 @!p0 $0xFFFFF086;
	s6 =	sadd.s32 @!p0 s3, s7;
	s7 =	simm.s32 @!p0 $0x108  }
0x21: {  	s3 =	sadd.s32 s3, s9;
	s6 =	sadd.s32 @!p0 $0x88, s6;
	s7 =	simm.s32 @p2 $0x1082  }
0x22: {  	[simem:s7], [sflag:s8] =	dma.local @!p0 [hbm:s6], $0xF7A  }
0x23: {  	s9 =	sor.u32 $0xD0000000, s2;
	s6 =	simm.s32 $0x108;
	_ =	swait.ge @!p0 [sflag:s8], $0x0  }
0x24: {  	s3 =	sadd.s32 $0x88, s3;
	s6 =	simm.s32 @!p1 $0x1082;
	[sflag:s4] =	ssyncset.s32 $0xFFFFF086  }
0x25: {  	[simem:s6], [sflag:s4] =	dma.local [hbm:s3], $0xF7A  }
0x26: {  	[smem:$0x3F9B] =	sst s1;
	(tag) =	ssettag s2;
	_ =	strace s9  }
0x27: {  	s1 =	sld [smem:$0x3FAB]  }
0x28: {  	s2 =	sld [smem:$0x3FAC]  }
0x29: {  	s4 =	sld [smem:$0x3FAE]  }
0x2a: {  	p0 =	seq.s32 s5, $0x0;
	s5 =	sld [smem:$0x3FAF]  }
0x2b: {  	s6 =	sld [smem:$0x3FB0]  }
0x2c: {  	s7 =	sld [smem:$0x3FB1]  }
0x2d: {  	s3 =	simm.s32 $0x108;
	s8 =	sld [smem:$0x3FB2]  }
0x2e: {  	s3 =	simm.s32 @!p0 $0x1082;
	s9 =	sld [smem:$0x3FB3]  }
0x2f: {  	lr =	sadd.s32 s0, s3;
	s0 =	sld [smem:$0x3FAA]  }
0x30: {  	s3 =	sld [smem:$0x3FAD]  }
0x31: {  	[smem:$0x3FB6] =	sst s10  }
0x32: {  	s10 =	sld [smem:$0x3FB4];
	_ =	sdelay $0x3  }
0x33: {  	p0 =	seq.s32 s10, $0x1;
	s10 =	sld [smem:$0x3FB6];
	_ =	sdelay $0x3  }
0x34: {  	[smem:$0x3FB6] =	sst s10  }
0x35: {  	s10 =	sld [smem:$0x3FB5];
	_ =	sdelay $0x3  }
0x36: {  	p1 =	seq.s32 s10, $0x1;
	s10 =	sld [smem:$0x3FB6];
	_ =	sdelay $0x3  }
0x37: {  	[smem:$0x3FB6] =	sst s10  }
0x38: {  	s10 =	sld [smem:$0x3FB7]  }
0x39: {  	_ = 	snop;
	(pc) =	sbr.ind lr, $3  }
0x3a: {  	_ = 	snop  }
0x3b: {  	_ = 	snop  }
0x3c: {  	p2 =	seq.s32 s10, $0x1;
	s10 =	sld [smem:$0x3FB6]  }
0x3d: {  	_ =	shalt  }
0x3e: {  	_ =	shalt  }
0x3f: {  	_ =	shalt  }
0x40: {  	_ =	shalt  }
0x41: {  	_ =	shalt  }
0x42: {  	_ =	shalt  }
0x43: {  	_ =	shalt  }
0x44: {  	_ =	shalt  }
0x45: {  	_ =	shalt  }
0x46: {  	_ =	shalt  }
0x47: {  	_ =	shalt  }
0x48: {  	_ =	shalt  }
0x49: {  	_ =	shalt  }
0x4a: {  	_ =	shalt  }
0x4b: {  	_ =	shalt  }
0x4c: {  	_ =	shalt  }
0x4d: {  	_ =	shalt  }
0x4e: {  	_ =	shalt  }
0x4f: {  	_ =	shalt  }
0x50: {  	_ =	shalt  }
0x51: {  	_ =	shalt  }
0x52: {  	_ =	shalt  }
0x53: {  	_ =	shalt  }
0x54: {  	_ =	shalt  }
0x55: {  	_ =	shalt  }
0x56: {  	_ =	shalt  }
0x57: {  	_ =	shalt  }
0x58: {  	_ =	shalt  }
0x59: {  	_ =	shalt  }
0x5a: {  	_ =	shalt  }
0x5b: {  	_ =	shalt  }
0x5c: {  	_ =	shalt  }
0x5d: {  	_ =	shalt  }
0x5e: {  	_ =	shalt  }
0x5f: {  	_ =	shalt  }
0x60: {  	_ =	shalt  }
0x61: {  	_ =	shalt  }
0x62: {  	_ =	shalt  }
0x63: {  	_ =	shalt  }
0x64: {  	_ =	shalt  }
0x65: {  	_ =	shalt  }
0x66: {  	_ =	shalt  }
0x67: {  	_ =	shalt  }
0x68: {  	_ =	shalt  }
0x69: {  	_ =	shalt  }
0x6a: {  	_ =	shalt  }
0x6b: {  	_ =	shalt  }
0x6c: {  	_ =	shalt  }
0x6d: {  	_ =	shalt  }
0x6e: {  	_ =	shalt  }
0x6f: {  	_ =	shalt  }
0x70: {  	_ =	shalt  }
0x71: {  	_ =	shalt  }
0x72: {  	_ =	shalt  }
0x73: {  	_ =	shalt  }
0x74: {  	_ =	shalt  }
0x75: {  	_ =	shalt  }
0x76: {  	_ =	shalt  }
0x77: {  	_ =	shalt  }
0x78: {  	_ =	shalt  }
0x79: {  	_ =	shalt  }
0x7a: {  	_ =	shalt  }
0x7b: {  	_ =	shalt  }
0x7c: {  	_ =	shalt  }
0x7d: {  	_ =	shalt  }
0x7e: {  	_ =	shalt  }
0x7f: {  	_ =	shalt  }
0x80: {  	_ =	shalt  }
0x81: {  	_ =	shalt  }
0x82: {  	_ =	shalt  }
0x83: {  	_ =	shalt  }
0x84: {  	_ =	shalt  }
0x85: {  	_ =	shalt  }
0x86: {  	_ =	shalt  }
0x87: {  	_ =	shalt  }
.Lfunc_end0:
.L_simem_size_0:
called_computation.2_lowered:
.L_overlay_start_0:
0x88: {  	s2 =	sld [smem:$0x3FD9]  }
0x89: {  	s3 =	sld [smem:$0x3FFE];
	_ =	sdelay $0x1  }
0x8a: {  	s1 =	srdreg.scid  }
0x8b: {  	s0 =	sand.u32 $0x1, s1  }
0x8c: {  	s17 =	sshll.u32 s0, $0xA;
	s2 =	sadd.s32 s3, s2  }
0x8d: {  	s2 =	sadd.s32 s2, s17  }
0x8e: {  	[smem:$0x3FC2] =	sst s2  }
0x8f: {  	_ = 	snop  }
0x90: {  	s2 =	sld [smem:$0x3FD0];
	(tm) =	ssettm $0x1  }
0x91: {  	s18 =	sld [smem:$0x3FFB];
	_ =	sdelay $0x3  }
0x92: {  	_ =	strace s18  }
0x93: {  	s3 =	sld [smem:$0x3FFC];
	_ =	sdelay $0x3  }
0x94: {  	_ =	strace s3  }
0x95: {  	s3 =	sld [smem:$0x3FFD];
	_ =	sdelay $0x3  }
0x96: {  	_ =	strace s3  }
0x97: {  	_ =	strace $0x8FFFFFFF  }
0x98: {  	s19 =	sld [smem:$0x3FDB];
	_ =	sdelay $0x1  }
0x99: {  	s4 =	simm.s32 $_scs_section_size  }
0x9a: {  	s5 =	simm.s32 $_size__tile_overlayer_lowered;
	s6 =	simm.s32 $_tile_overlayer_lowered  }
0x9b: {  	s22 =	simm.s32 $0x1BFF;
	s21 =	sshll.u32 s6, $0x1;
	s3 =	sadd.s32 s4, s19  }
0x9c: {  	s7 =	simm.s32 $0x0;
	s20 =	sshll.u32 s5, $0x1;
	s5 =	sadd.s32 s21, s3  }
0x9d: {  	[timem:s7], [sflag:s22] =	dma.local [hbm:s5], s20  }
0x9e: {  	_ =	swait.ge [sflag:s22], s20  }
0x9f: {  	s4 =	ssub.s32 $0x0, s20;
	[sflag:s22] =	ssyncset.done $0x0  }
0xa0: {  	[sflag:s22] =	ssyncadd.s32 s4;
	_ =	sdelay $0x1  }
0xa1: {  	s23 =	simm.s32 $0x1B8B  }
0xa2: {  	_ =	swait.ge [sflag:s23], $0x1  }
0xa3: {  	[sflag:s23] =	ssyncset.done $0x0  }
0xa4: {  	s25 =	simm.s32 $0x1B8E;
	s24 =	sld [smem:$0x3FFE];
	[sflag:s23] =	ssyncadd.s32 $0xFFFFFFFF  }
0xa5: {  	s26 =	simm.s32 $execute0_lowered;
	[smem:$0x3FD2] =	sst s25  }
0xa6: {  	s5 =	sshll.u32 s26, $0x1;
	_ =	strace $0x8000004C;
	[dreg:$0x1] =	wrdreg $0xFFFFFFFF  }
0xa7: {  	s28 =	simm.s32 $_size_execute0_lowered;
	s3 =	sadd.s32 s3, s5;
	[dreg:$0x0] =	wrdreg $0x0  }
0xa8: {  	s5 =	sshll.u32 s28, $0x1;
	[dreg:$0x2] =	wrdreg s3  }
0xa9: {  	[dreg:$0x3] =	wrdreg s5  }
0xaa: {  	[dreg:$0x4] =	wrdreg $0xC0  }
0xab: {  	_ =	task [dreg:s7], $0x5FFFF  }
0xac: {  	[dreg:$0x1] =	wrdreg $0xFFFFFFFF  }
0xad: {  	[dreg:$0x0] =	wrdreg $0x60  }
0xae: {  	[dreg:$0x2] =	wrdreg s24  }
0xaf: {  	[dreg:$0x3] =	wrdreg s2  }
0xb0: {  	[dreg:$0x4] =	wrdreg $0xA8000  }
0xb1: {  	[dreg:$0x5] =	wrdreg $0x9  }
0xb2: {  	_ =	task.clear_ibuf [dreg:s7], $0x6FFFF;
	_ =	strace $0x9000004C  }
0xb3: {  	s29 =	simm.s32 $0x9;
	_ =	strace $0x8000004E  }
0xb4: {  	_ =	swait.ge [sflag:s29], $0x1  }
0xb5: {  	[sflag:s29] =	ssyncadd.s32 $0xFFFFFFFF  }
0xb6: {  	_ =	strace $0x9000004E  }
0xb7: {  	_ =	sfence  }
0xb8: {  	s30 =	sld [smem:$0x0];
	_ =	sdelay $0x2  }
0xb9: {  	s31 =	sshll.u32 s1, $0xD;
	s1 =	sshrl.u32 s1, $0x2  }
0xba: {  	s3 =	sand.u32 $0x4000, s31;
	s1 =	sadd.s32 s1, s30  }
0xbb: {  	s0 =	sor.u32 s3, s0;
	s1 =	sshll.u32 s1, $0x11  }
0xbc: {  	s0 =	sor.u32 s1, s0  }
0xbd: {  	s0 =	sadd.s32 $0x8F2B, s0  }
0xbe: {  	[sflag:s0] =	ssyncadd.remote.s32 $0x1  }
0xbf: {  	_ =	sfence.sel $0xFFFF  }
0xc0: {  	[dreg:$0x0] =	wrdreg $0xFFFFFFFF;
	(pc) =	sbr.abs _section_cstart, $3  }
0xc1: {  	[dreg:$0x1] =	wrdreg $0xFFFFFFFF  }
0xc2: {  	_ =	task.clear_ibuf [dreg:s7], $0x2FFFF;
	_ =	strace $0x9FFFFFFF  }
0xc3: {  	(tm) =	ssettm $0x7FFFFFFF  }
tec
execute0_lowered:
.L_overlay_start_1:
0x0: {  	(tag) =	ssettag $0x1  }
0x1: {  	s6 =	rddreg [dreg:$0x0]  }
0x2: {  	s0 =	srdreg.scid;
	s7 =	rddreg [dreg:$0x1]  }
0x3: {  	s2 =	rddreg [dreg:$0x2];
	s3 =	simm.s32 $0x0;
	s14 =	simm.s32 $0x80  }
0x4: {  	s15 =	simm.s32 $0x6800;
	s17 =	sand.u32 $0x1, s0;
	s0 =	stileid.u32  }
0x5: {  	s16 =	simm.s32 $0x1;
	[smem:$0x7FF] =	sst s3;
	s5 =	smul.u32 $0x140000, s17  }
0x6: {  	s4 =	sadd.s32 $0x13400, s6;
	s1 =	sshll.u32 s17, $0x4;
	s9 =	smul.u32 $0x14000, s0  }
0x7: {  	s11 =	ssub.s32 $0x2, s17;
	s12 =	smul.u32 $0x50000, s0;
	s31 =	sshll.u32 s0, $0x6  }
0x8: {  	p0 =	sne.s32 s17, $0x0;
	s17 =	simm.s32 $0x0;
	s1 =	sor.u32 s0, s1  }
0x9: {  	s13 =	sshrl.u32 s11, $0x1;
	s8 =	smul.u32 $0x680, s1;
	s1 =	rddreg [dreg:$0x3]  }
0xa: {  	_ =	strace $0x8000004D;
	s9 =	sadd.s32 s9, s5;
	s5 =	sadd.s32 $0x10C00, s6  }
.Ltmp0:
0xb: {  	s11 =	ssub.s32 s11, s13;
	s12 =	sshrl.u32 s12, $0x2;
	(pc) =	sbr.rel .LBB2_1-.Ltmp0, $4  }
0xc: {  	s9 =	sshrl.u32 s9, $0x3;
	s30 =	sadd.s32 s12, s2;
	s12 =	sor.u32 $0x1C02, s31  }
0xd: {  	s10 =	sadd.s32 s8, s6;
	s9 =	sadd.s32 s9, s6;
	s7 =	sadd.s32 s7, s8  }
0xe: {  	s13 =	sshrl.u32 s30, $0x3;
	s6 =	sadd.s32 $0x3C00, s10;
	s8 =	sadd.s32 $0x63C00, s9  }
0xf: {  	s9 =	smax.u32 s11, $0x1;
	s10 =	simm.s32 $0x2;
	s11 =	simm.s32 $0x3400  }
.LBB2_6:
0x10: {  	s19 =	sadd.s32 $0x1C00, s18;
	[sflag:s10] =	ssyncadd.s32 $0xFFFFC000  }
0x11: {  	[tilespmem:s15], [sflag:$0x1] =	stream.indirect.gather [hbm4b:s4+s14], $0x80, s19, s14, $0xb8;
	[tilespmem:$0x1E800] =	vst v63  }
0x12: {  	_ =	swait.ge [sflag:s16], $0x4000  }
0x13: {  	[sflag:s16] =	ssyncset.done $0x0  }
0x14: {  	s31 =	sadd.s32 $0x5000, s18;
	[sflag:s16] =	ssyncadd.s32 $0xFFFFC000  }
0x15: {  	[spmem:s2] =	stream.indirect.scatter.add.f32 [tilespmem:s15], [sflag:$0x2], $0x80, s31, s14, $0xb8;
	[tilespmem:$0x1E800] =	vst v63  }
0x16: {  	_ =	swait.ge [sflag:s10], $0x4000  }
0x17: {  	[sflag:s10] =	ssyncset.done $0x0  }
0x18: {  	[sflag:s10] =	ssyncadd.s32 $0xFFFFC000  }
.LBB2_7:
0x19: {  	s17 =	sadd.s32 $0x1, s17  }
0x1a: {  	p1 =	sne.s32 s17, s9  }
.Ltmp1:
0x1b: {  	[bflag:$0x0] =	sbarrier.arrive $0xFFFF;
	(pc) =	sbr.rel @!p1 .LBB2_8-.Ltmp1, $4  }
0x1c: {  	[hbm:s8], [sflag:s12] =	dma.local [spmem:s13], $0x2800  }
0x1d: {  	_ =	swait.ge [sflag:s10], $0x2800  }
0x1e: {  	[sflag:s10] =	ssyncset.done $0x0  }
0x1f: {  	[sflag:s10] =	ssyncadd.s32 $0xFFFFD800  }
.LBB2_1:
0x20: {  	[tilespmem:s3], [sflag:$0x2] =	stream.linear.gather [hbm4b:s6+s3], $0x3400, $0x38;
	[tilespmem:$0x1E800] =	vst v63  }
0x21: {  	_ =	swait.ge [sflag:s10], $0x3400  }
0x22: {  	[sflag:s10] =	ssyncset.done $0x0  }
0x23: {  	[sflag:s10] =	ssyncadd.s32 $0xFFFFCC00  }
0x24: {  	[tilespmem:s11], [sflag:$0x2] =	stream.linear.gather [hbm4b:s7+s3], $0x3400, $0x38;
	[tilespmem:$0x1E800] =	vst v63  }
0x25: {  	_ =	swait.ge [sflag:s10], $0x3400  }
0x26: {  	[sflag:s10] =	ssyncset.done $0x0  }
0x27: {  	[sflag:s10] =	ssyncadd.s32 $0xFFFFCC00  }
0x28: {  	[spmem:s13], [sflag:s12] =	dma.local [hbm:s5], $0x2800  }
0x29: {  	_ =	swait.ge [sflag:s10], $0x2800  }
0x2a: {  	[sflag:s10] =	ssyncset.done $0x0  }
0x2b: {  	[sflag:s10] =	ssyncadd.s32 $0xFFFFD800  }
0x2c: {  	s18 =	simm.s32 $0x0;
	[bflag:$0x0] =	sbarrier.arrive $0xFFFF  }
0x2d: {  	[tilespmem:s15], [sflag:$0x1] =	stream.indirect.gather [hbm4b:s4+s14], $0x80, s18, s14, $0xb8;
	[tilespmem:$0x1E800] =	vst v63  }
0x2e: {  	_ =	swait.ge [sflag:s16], $0x4000  }
0x2f: {  	[sflag:s16] =	ssyncset.done $0x0  }
0x30: {  	s31 =	simm.s32 $0x3400;
	[sflag:s16] =	ssyncadd.s32 $0xFFFFC000  }
0x31: {  	[spmem:s2] =	stream.indirect.scatter.add.f32 [tilespmem:s15], [sflag:$0x2], $0x80, s31, s14, $0xb8;
	[tilespmem:$0x1E800] =	vst v63  }
0x32: {  	_ =	swait.ge [sflag:s10], $0x4000  }
0x33: {  	s19 =	simm.s32 $0x400;
	s18 =	simm.s32 $0x200;
	[sflag:s10] =	ssyncset.done $0x0  }
.LBB2_2:
0x34: {  	s20 =	sshra.s32 s18, $0x2  }
0x35: {  	[sflag:s10] =	ssyncadd.s32 $0xFFFFC000;
	s18 =	smov.u32 s19;
	s21 =	sadd.s32 $0x200, s19  }
0x36: {  	[tilespmem:s15], [sflag:$0x1] =	stream.indirect.gather [hbm4b:s4+s14], $0x80, s20, s14, $0xb8;
	[tilespmem:$0x1E800] =	vst v63  }
0x37: {  	p1 =	sne.s32 s19, $0x6E00;
	_ =	swait.ge [sflag:s16], $0x4000  }
.Ltmp2:
0x38: {  	[sflag:s16] =	ssyncset.done $0x0;
	(pc) =	sbr.rel @p1 .LBB2_2-.Ltmp2, $4  }
0x39: {  	s19 =	sadd.s32 $0x3400, s20;
	[sflag:s16] =	ssyncadd.s32 $0xFFFFC000  }
0x3a: {  	[spmem:s2] =	stream.indirect.scatter.add.f32 [tilespmem:s15], [sflag:$0x2], $0x80, s19, s14, $0xb8;
	[tilespmem:$0x1E800] =	vst v63  }
0x3b: {  	_ =	swait.ge [sflag:s10], $0x4000  }
0x3c: {  	s19 =	smov.u32 s21;
	[sflag:s10] =	ssyncset.done $0x0  }
0x3d: {  	s18 =	sshra.s32 s18, $0x2;
	[sflag:s10] =	ssyncadd.s32 $0xFFFFC000  }
0x3e: {  	[tilespmem:s15], [sflag:$0x1] =	stream.indirect.gather [hbm4b:s4+s14], $0x80, s18, s14, $0xb8;
	[tilespmem:$0x1E800] =	vst v63  }
0x3f: {  	_ =	swait.ge [sflag:s16], $0x4000  }
0x40: {  	[sflag:s16] =	ssyncset.done $0x0  }
.Ltmp3:
0x41: {  	s18 =	sadd.s32 $0x3400, s18;
	[sflag:s16] =	ssyncadd.s32 $0xFFFFC000;
	(pc) =	sbr.rel @p0 .LBB2_7-.Ltmp3, $4  }
0x42: {  	[spmem:s2] =	stream.indirect.scatter.add.f32 [tilespmem:s15], [sflag:$0x2], $0x80, s18, s14, $0xb8;
	[tilespmem:$0x1E800] =	vst v63  }
0x43: {  	_ =	swait.ge [sflag:s10], $0x4000  }
0x44: {  	[sflag:s10] =	ssyncset.done $0x0  }
0x45: {  	[sflag:s10] =	ssyncadd.s32 $0xFFFFC000  }
0x46: {  	s18 =	simm.s32 $0x1C00  }
0x47: {  	[tilespmem:s15], [sflag:$0x1] =	stream.indirect.gather [hbm4b:s4+s14], $0x80, s18, s14, $0xb8;
	[tilespmem:$0x1E800] =	vst v63  }
0x48: {  	_ =	swait.ge [sflag:s16], $0x4000  }
0x49: {  	[sflag:s16] =	ssyncset.done $0x0  }
0x4a: {  	s31 =	simm.s32 $0x5000;
	[sflag:s16] =	ssyncadd.s32 $0xFFFFC000  }
0x4b: {  	[spmem:s2] =	stream.indirect.scatter.add.f32 [tilespmem:s15], [sflag:$0x2], $0x80, s31, s14, $0xb8;
	[tilespmem:$0x1E800] =	vst v63  }
0x4c: {  	_ =	swait.ge [sflag:s10], $0x4000  }
0x4d: {  	s19 =	simm.s32 $0x400;
	s18 =	simm.s32 $0x80;
	[sflag:s10] =	ssyncset.done $0x0  }
.LBB2_5:
0x4e: {  	s20 =	sadd.s32 $0x1C00, s18  }
0x4f: {  	[sflag:s10] =	ssyncadd.s32 $0xFFFFC000;
	s21 =	smov.u32 s19;
	s22 =	sadd.s32 $0x200, s19  }
0x50: {  	[tilespmem:s15], [sflag:$0x1] =	stream.indirect.gather [hbm4b:s4+s14], $0x80, s20, s14, $0xb8;
	[tilespmem:$0x1E800] =	vst v63  }
0x51: {  	p1 =	sne.s32 s19, $0x5E00;
	_ =	swait.ge [sflag:s16], $0x4000  }
.Ltmp4:
0x52: {  	[sflag:s16] =	ssyncset.done $0x0;
	(pc) =	sbr.rel @p1 .LBB2_5-.Ltmp4, $4  }
0x53: {  	s18 =	sadd.s32 $0x5000, s18;
	[sflag:s16] =	ssyncadd.s32 $0xFFFFC000  }
0x54: {  	[spmem:s2] =	stream.indirect.scatter.add.f32 [tilespmem:s15], [sflag:$0x2], $0x80, s18, s14, $0xb8;
	[tilespmem:$0x1E800] =	vst v63  }
0x55: {  	_ =	swait.ge [sflag:s10], $0x4000  }
0x56: {  	s19 =	smov.u32 s22;
	s18 =	sshra.s32 s21, $0x2;
	[sflag:s10] =	ssyncset.done $0x0  }
.Ltmp5:
0x57: {  	_ = 	snop;
	(pc) =	sbr.rel .LBB2_6-.Ltmp5, $1  }
0x58: {  	_ =	sdelay $0x3  }
.LBB2_8:
0x59: {  	_ =	sfence.sel $0x180000  }
0x5a: {  	[bflag:$0x0] =	sbarrier.arrive $0xFFFF  }
0x5b: {  	p0 =	sne.s32 s0, $0x0;
	_ =	strace $0x9000004D  }
0x5c: {  	s0 =	sadd.s32 @!p0 $0x100000, s1;
	[bflag:$0x2] =	sbarrier.arrive $0xFFFF  }
0x5d: {  	[sflag:s0] =	ssyncadd.tile.s32 @!p0 $0x1;
	_ =	shalt  }
.Lfunc_end2:
_tile_overlayer_lowered:
.L_overlay_start_2:
0x5e: {  	(tag) =	ssettag $0x2  }
0x5f: {  	s0 =	rddreg [dreg:$0x0];
	s2 =	stileid.u32  }
0x60: {  	s1 =	rddreg [dreg:$0x1];
	p0 =	sne.s32 s2, $0x0  }
0x61: {  	s3 =	rddreg [dreg:$0x2];
	[bflag:$0x3] =	sbarrier.arrive $0xFFFF;
	s2 =	simm.s32 @!p0 $0x1C02  }
0x62: {  	[timem:s3], [sflag:s2] =	dma.local @!p0 [hbm:s0], s1  }
0x63: {  	s0 =	simm.s32 @!p0 $0x2  }
0x64: {  	_ =	swait.ge @!p0 [sflag:s0], s1  }
0x65: {  	s1 =	ssub.s32 @!p0 $0x0, s1;
	[sflag:s0] =	ssyncset.done @!p0 $0x0  }
0x66: {  	[sflag:s0] =	ssyncadd.s32 @!p0 s1  }
0x67: {  	[bflag:$0x3] =	sbarrier.arrive $0xFFFF  }
0x68: {  	_ =	shalt  }

// kernel: kernel.19.cloned.1.call-start
scs
__scs_entry_jumppad:
0x0: {  	(pc) =	sbr.rel $0x88, $3  }
0x1: {  	(tag) =	ssettag $0x0;
	lr =	simm.s32 $0x1  }
0x2: {  	[smem:$0x3F9B] =	sst lr;
	_ =	strace $0xD0000000  }
0x3: {  	_ = 	snop  }
0x4: {  	_ = 	snop  }
0x5: {  	_ = 	snop  }
0x6: {  	_ = 	snop  }
0x7: {  	_ = 	snop  }
__scs_overlays_trampoline_lowered:
0x8: {  	[smem:$0x3FAA] =	sst s0  }
0x9: {  	[smem:$0x3FAB] =	sst s1  }
0xa: {  	[smem:$0x3FAC] =	sst s2  }
0xb: {  	[smem:$0x3FAD] =	sst s3  }
0xc: {  	[smem:$0x3FAE] =	sst s4  }
0xd: {  	[smem:$0x3FAF] =	sst s5  }
0xe: {  	[smem:$0x3FB0] =	sst s6  }
0xf: {  	[smem:$0x3FB1] =	sst s7  }
0x10: {  	[smem:$0x3FB2] =	sst s8  }
0x11: {  	[smem:$0x3FB3] =	sst s9;
	s0 =	simm.s32 @!p0 $0x0  }
0x12: {  	s1 =	sld [smem:$0x3F99];
	s0 =	simm.s32 @p0 $0x1  }
0x13: {  	[smem:$0x3FB4] =	sst s0;
	s0 =	simm.s32 @!p1 $0x0  }
0x14: {  	s2 =	sld [smem:$0x3F98];
	s0 =	simm.s32 @p1 $0x1  }
0x15: {  	[smem:$0x3FB5] =	sst s0;
	s0 =	simm.s32 @!p2 $0x0  }
0x16: {  	s3 =	sld [smem:$0x3FDB];
	s0 =	simm.s32 @p2 $0x1  }
0x17: {  	s4 =	simm.s32 $0x1BF5;
	[smem:$0x3FB7] =	sst s0  }
0x18: {  	s0 =	sld [smem:$0x3F9A];
	_ =	swait.ge [sflag:s4], $0x0  }
0x19: {  	s7 =	sld [smem:$0x3F9B]  }
0x1a: {  	s8 =	sadd.s32 $0xFFFFE003, lr  }
0x1b: {  	s9 =	sadd.s32 $0xFFFFFEF7, lr;
	s5 =	simm.s32 $0xFFFFFFFF;
	p2 =	slt.u32 s8, $0xFFFFF086  }
0x1c: {  	p1 =	slt.u32 s9, $0xF7A;
	s5 =	simm.s32 @!p2 $0x0  }
0x1d: {  	s5 =	simm.s32 @p1 $0x1;
	p0 =	seq.s32 s7, s2  }
0x1e: {  	s7 =	smul.u32 @!p0 $0xF7A, s2;
	p2 =	seq.s32 @!p0 s5, $0x0  }
0x1f: {  	s9 =	smul.u32 $0xF7A, s1;
	s8 =	simm.s32 @!p0 $0x1BF5;
	p2 =	por !p2, p0  }
0x20: {  	[sflag:s8] =	ssyncset.s32 @!p0 $0xFFFFF086;
	s6 =	sadd.s32 @!p0 s3, s7;
	s7 =	simm.s32 @!p0 $0x108  }
0x21: {  	s3 =	sadd.s32 s3, s9;
	s6 =	sadd.s32 @!p0 $0x88, s6;
	s7 =	simm.s32 @p2 $0x1082  }
0x22: {  	[simem:s7], [sflag:s8] =	dma.local @!p0 [hbm:s6], $0xF7A  }
0x23: {  	s9 =	sor.u32 $0xD0000000, s2;
	s6 =	simm.s32 $0x108;
	_ =	swait.ge @!p0 [sflag:s8], $0x0  }
0x24: {  	s3 =	sadd.s32 $0x88, s3;
	s6 =	simm.s32 @!p1 $0x1082;
	[sflag:s4] =	ssyncset.s32 $0xFFFFF086  }
0x25: {  	[simem:s6], [sflag:s4] =	dma.local [hbm:s3], $0xF7A  }
0x26: {  	[smem:$0x3F9B] =	sst s1;
	(tag) =	ssettag s2;
	_ =	strace s9  }
0x27: {  	s1 =	sld [smem:$0x3FAB]  }
0x28: {  	s2 =	sld [smem:$0x3FAC]  }
0x29: {  	s4 =	sld [smem:$0x3FAE]  }
0x2a: {  	p0 =	seq.s32 s5, $0x0;
	s5 =	sld [smem:$0x3FAF]  }
0x2b: {  	s6 =	sld [smem:$0x3FB0]  }
0x2c: {  	s7 =	sld [smem:$0x3FB1]  }
0x2d: {  	s3 =	simm.s32 $0x108;
	s8 =	sld [smem:$0x3FB2]  }
0x2e: {  	s3 =	simm.s32 @!p0 $0x1082;
	s9 =	sld [smem:$0x3FB3]  }
0x2f: {  	lr =	sadd.s32 s0, s3;
	s0 =	sld [smem:$0x3FAA]  }
0x30: {  	s3 =	sld [smem:$0x3FAD]  }
0x31: {  	[smem:$0x3FB6] =	sst s10  }
0x32: {  	s10 =	sld [smem:$0x3FB4];
	_ =	sdelay $0x3  }
0x33: {  	p0 =	seq.s32 s10, $0x1;
	s10 =	sld [smem:$0x3FB6];
	_ =	sdelay $0x3  }
0x34: {  	[smem:$0x3FB6] =	sst s10  }
0x35: {  	s10 =	sld [smem:$0x3FB5];
	_ =	sdelay $0x3  }
0x36: {  	p1 =	seq.s32 s10, $0x1;
	s10 =	sld [smem:$0x3FB6];
	_ =	sdelay $0x3  }
0x37: {  	[smem:$0x3FB6] =	sst s10  }
0x38: {  	s10 =	sld [smem:$0x3FB7]  }
0x39: {  	_ = 	snop;
	(pc) =	sbr.ind lr, $3  }
0x3a: {  	_ = 	snop  }
0x3b: {  	_ = 	snop  }
0x3c: {  	p2 =	seq.s32 s10, $0x1;
	s10 =	sld [smem:$0x3FB6]  }
0x3d: {  	_ =	shalt  }
0x3e: {  	_ =	shalt  }
0x3f: {  	_ =	shalt  }
0x40: {  	_ =	shalt  }
0x41: {  	_ =	shalt  }
0x42: {  	_ =	shalt  }
0x43: {  	_ =	shalt  }
0x44: {  	_ =	shalt  }
0x45: {  	_ =	shalt  }
0x46: {  	_ =	shalt  }
0x47: {  	_ =	shalt  }
0x48: {  	_ =	shalt  }
0x49: {  	_ =	shalt  }
0x4a: {  	_ =	shalt  }
0x4b: {  	_ =	shalt  }
0x4c: {  	_ =	shalt  }
0x4d: {  	_ =	shalt  }
0x4e: {  	_ =	shalt  }
0x4f: {  	_ =	shalt  }
0x50: {  	_ =	shalt  }
0x51: {  	_ =	shalt  }
0x52: {  	_ =	shalt  }
0x53: {  	_ =	shalt  }
0x54: {  	_ =	shalt  }
0x55: {  	_ =	shalt  }
0x56: {  	_ =	shalt  }
0x57: {  	_ =	shalt  }
0x58: {  	_ =	shalt  }
0x59: {  	_ =	shalt  }
0x5a: {  	_ =	shalt  }
0x5b: {  	_ =	shalt  }
0x5c: {  	_ =	shalt  }
0x5d: {  	_ =	shalt  }
0x5e: {  	_ =	shalt  }
0x5f: {  	_ =	shalt  }
0x60: {  	_ =	shalt  }
0x61: {  	_ =	shalt  }
0x62: {  	_ =	shalt  }
0x63: {  	_ =	shalt  }
0x64: {  	_ =	shalt  }
0x65: {  	_ =	shalt  }
0x66: {  	_ =	shalt  }
0x67: {  	_ =	shalt  }
0x68: {  	_ =	shalt  }
0x69: {  	_ =	shalt  }
0x6a: {  	_ =	shalt  }
0x6b: {  	_ =	shalt  }
0x6c: {  	_ =	shalt  }
0x6d: {  	_ =	shalt  }
0x6e: {  	_ =	shalt  }
0x6f: {  	_ =	shalt  }
0x70: {  	_ =	shalt  }
0x71: {  	_ =	shalt  }
0x72: {  	_ =	shalt  }
0x73: {  	_ =	shalt  }
0x74: {  	_ =	shalt  }
0x75: {  	_ =	shalt  }
0x76: {  	_ =	shalt  }
0x77: {  	_ =	shalt  }
0x78: {  	_ =	shalt  }
0x79: {  	_ =	shalt  }
0x7a: {  	_ =	shalt  }
0x7b: {  	_ =	shalt  }
0x7c: {  	_ =	shalt  }
0x7d: {  	_ =	shalt  }
0x7e: {  	_ =	shalt  }
0x7f: {  	_ =	shalt  }
0x80: {  	_ =	shalt  }
0x81: {  	_ =	shalt  }
0x82: {  	_ =	shalt  }
0x83: {  	_ =	shalt  }
0x84: {  	_ =	shalt  }
0x85: {  	_ =	shalt  }
0x86: {  	_ =	shalt  }
0x87: {  	_ =	shalt  }
.Lfunc_end0:
.L_simem_size_0:
called_computation.3_lowered:
.L_overlay_start_0:
0x88: {  	s2 =	sld [smem:$0x3FD9]  }
0x89: {  	s3 =	sld [smem:$0x3FFE];
	_ =	sdelay $0x1  }
0x8a: {  	s1 =	srdreg.scid  }
0x8b: {  	s0 =	sand.u32 $0x1, s1  }
0x8c: {  	s17 =	sshll.u32 s0, $0xA;
	s2 =	sadd.s32 s3, s2  }
0x8d: {  	s2 =	sadd.s32 s2, s17  }
0x8e: {  	[smem:$0x3FC2] =	sst s2  }
0x8f: {  	_ = 	snop  }
0x90: {  	s2 =	sld [smem:$0x3FD0];
	(tm) =	ssettm $0x1  }
0x91: {  	s18 =	sld [smem:$0x3FFB];
	_ =	sdelay $0x3  }
0x92: {  	_ =	strace s18  }
0x93: {  	s3 =	sld [smem:$0x3FFC];
	_ =	sdelay $0x3  }
0x94: {  	_ =	strace s3  }
0x95: {  	s3 =	sld [smem:$0x3FFD];
	_ =	sdelay $0x3  }
0x96: {  	_ =	strace s3  }
0x97: {  	_ =	strace $0x8FFFFFFF  }
0x98: {  	s19 =	sld [smem:$0x3FDB];
	_ =	sdelay $0x1  }
0x99: {  	s4 =	simm.s32 $_scs_section_size  }
0x9a: {  	s5 =	simm.s32 $_size__tile_overlayer_lowered;
	s6 =	simm.s32 $_tile_overlayer_lowered  }
0x9b: {  	s22 =	simm.s32 $0x1BFF;
	s21 =	sshll.u32 s6, $0x1;
	s3 =	sadd.s32 s4, s19  }
0x9c: {  	s7 =	simm.s32 $0x0;
	s20 =	sshll.u32 s5, $0x1;
	s5 =	sadd.s32 s21, s3  }
0x9d: {  	[timem:s7], [sflag:s22] =	dma.local [hbm:s5], s20  }
0x9e: {  	_ =	swait.ge [sflag:s22], s20  }
0x9f: {  	s4 =	ssub.s32 $0x0, s20;
	[sflag:s22] =	ssyncset.done $0x0  }
0xa0: {  	[sflag:s22] =	ssyncadd.s32 s4;
	_ =	sdelay $0x1  }
0xa1: {  	s23 =	simm.s32 $0x1B8B  }
0xa2: {  	_ =	swait.ge [sflag:s23], $0x1  }
0xa3: {  	[sflag:s23] =	ssyncset.done $0x0  }
0xa4: {  	s25 =	simm.s32 $0x1B8E;
	s24 =	sld [smem:$0x3FFE];
	[sflag:s23] =	ssyncadd.s32 $0xFFFFFFFF  }
0xa5: {  	s26 =	simm.s32 $execute0_lowered;
	[smem:$0x3FD2] =	sst s25  }
0xa6: {  	s5 =	sshll.u32 s26, $0x1;
	_ =	strace $0x8000004F;
	[dreg:$0x1] =	wrdreg $0xFFFFFFFF  }
0xa7: {  	s28 =	simm.s32 $_size_execute0_lowered;
	s3 =	sadd.s32 s3, s5;
	[dreg:$0x0] =	wrdreg $0x0  }
0xa8: {  	s5 =	sshll.u32 s28, $0x1;
	[dreg:$0x2] =	wrdreg s3  }
0xa9: {  	[dreg:$0x3] =	wrdreg s5  }
0xaa: {  	[dreg:$0x4] =	wrdreg $0xC0  }
0xab: {  	_ =	task [dreg:s7], $0x5FFFF  }
0xac: {  	[dreg:$0x1] =	wrdreg $0xFFFFFFFF  }
0xad: {  	[dreg:$0x0] =	wrdreg $0x60  }
0xae: {  	[dreg:$0x2] =	wrdreg s24  }
0xaf: {  	[dreg:$0x3] =	wrdreg s2  }
0xb0: {  	[dreg:$0x4] =	wrdreg $0xA8000  }
0xb1: {  	[dreg:$0x5] =	wrdreg $0x9  }
0xb2: {  	_ =	task.clear_ibuf [dreg:s7], $0x6FFFF;
	_ =	strace $0x9000004F  }
0xb3: {  	s29 =	simm.s32 $0x9;
	_ =	strace $0x80000051  }
0xb4: {  	_ =	swait.ge [sflag:s29], $0x1  }
0xb5: {  	[sflag:s29] =	ssyncadd.s32 $0xFFFFFFFF  }
0xb6: {  	_ =	strace $0x90000051  }
0xb7: {  	_ =	sfence  }
0xb8: {  	s30 =	sld [smem:$0x0];
	_ =	sdelay $0x2  }
0xb9: {  	s31 =	sshll.u32 s1, $0xD;
	s1 =	sshrl.u32 s1, $0x2  }
0xba: {  	s3 =	sand.u32 $0x4000, s31;
	s1 =	sadd.s32 s1, s30  }
0xbb: {  	s0 =	sor.u32 s3, s0;
	s1 =	sshll.u32 s1, $0x11  }
0xbc: {  	s0 =	sor.u32 s1, s0  }
0xbd: {  	s0 =	sadd.s32 $0x8F2B, s0  }
0xbe: {  	[sflag:s0] =	ssyncadd.remote.s32 $0x1  }
0xbf: {  	_ =	sfence.sel $0xFFFF  }
0xc0: {  	[dreg:$0x0] =	wrdreg $0xFFFFFFFF;
	(pc) =	sbr.abs _section_cstart, $3  }
0xc1: {  	[dreg:$0x1] =	wrdreg $0xFFFFFFFF  }
0xc2: {  	_ =	task.clear_ibuf [dreg:s7], $0x2FFFF;
	_ =	strace $0x9FFFFFFF  }
0xc3: {  	(tm) =	ssettm $0x7FFFFFFF  }
tec
execute0_lowered:
.L_overlay_start_1:
0x0: {  	(tag) =	ssettag $0x1  }
0x1: {  	s6 =	rddreg [dreg:$0x0]  }
0x2: {  	s0 =	srdreg.scid;
	s7 =	rddreg [dreg:$0x1]  }
0x3: {  	s2 =	rddreg [dreg:$0x2];
	s3 =	simm.s32 $0x0;
	s14 =	simm.s32 $0x80  }
0x4: {  	s15 =	simm.s32 $0x6800;
	s17 =	sand.u32 $0x1, s0;
	s0 =	stileid.u32  }
0x5: {  	s16 =	simm.s32 $0x1;
	[smem:$0x7FF] =	sst s3;
	s5 =	smul.u32 $0x140000, s17  }
0x6: {  	s4 =	sadd.s32 $0x13400, s6;
	s1 =	sshll.u32 s17, $0x4;
	s9 =	smul.u32 $0x14000, s0  }
0x7: {  	s11 =	ssub.s32 $0x2, s17;
	s12 =	smul.u32 $0x50000, s0;
	s31 =	sshll.u32 s0, $0x6  }
0x8: {  	p0 =	sne.s32 s17, $0x0;
	s17 =	simm.s32 $0x0;
	s1 =	sor.u32 s0, s1  }
0x9: {  	s13 =	sshrl.u32 s11, $0x1;
	s8 =	smul.u32 $0x680, s1;
	s1 =	rddreg [dreg:$0x3]  }
0xa: {  	_ =	strace $0x80000050;
	s9 =	sadd.s32 s9, s5;
	s5 =	sadd.s32 $0x10C00, s6  }
.Ltmp0:
0xb: {  	s11 =	ssub.s32 s11, s13;
	s12 =	sshrl.u32 s12, $0x2;
	(pc) =	sbr.rel .LBB2_1-.Ltmp0, $4  }
0xc: {  	s9 =	sshrl.u32 s9, $0x3;
	s30 =	sadd.s32 s12, s2;
	s12 =	sor.u32 $0x1C02, s31  }
0xd: {  	s10 =	sadd.s32 s8, s6;
	s9 =	sadd.s32 s9, s6;
	s7 =	sadd.s32 s7, s8  }
0xe: {  	s13 =	sshrl.u32 s30, $0x3;
	s6 =	sadd.s32 $0x3C00, s10;
	s8 =	sadd.s32 $0x3B400, s9  }
0xf: {  	s9 =	smax.u32 s11, $0x1;
	s10 =	simm.s32 $0x2;
	s11 =	simm.s32 $0x3400  }
.LBB2_6:
0x10: {  	s19 =	sadd.s32 $0x1C00, s18;
	[sflag:s10] =	ssyncadd.s32 $0xFFFFC000  }
0x11: {  	[tilespmem:s15], [sflag:$0x1] =	stream.indirect.gather [hbm4b:s4+s14], $0x80, s19, s14, $0xb8;
	[tilespmem:$0x1E800] =	vst v63  }
0x12: {  	_ =	swait.ge [sflag:s16], $0x4000  }
0x13: {  	[sflag:s16] =	ssyncset.done $0x0  }
0x14: {  	s31 =	sadd.s32 $0x5000, s18;
	[sflag:s16] =	ssyncadd.s32 $0xFFFFC000  }
0x15: {  	[spmem:s2] =	stream.indirect.scatter.add.f32 [tilespmem:s15], [sflag:$0x2], $0x80, s31, s14, $0xb8;
	[tilespmem:$0x1E800] =	vst v63  }
0x16: {  	_ =	swait.ge [sflag:s10], $0x4000  }
0x17: {  	[sflag:s10] =	ssyncset.done $0x0  }
0x18: {  	[sflag:s10] =	ssyncadd.s32 $0xFFFFC000  }
.LBB2_7:
0x19: {  	s17 =	sadd.s32 $0x1, s17  }
0x1a: {  	p1 =	sne.s32 s17, s9  }
.Ltmp1:
0x1b: {  	[bflag:$0x0] =	sbarrier.arrive $0xFFFF;
	(pc) =	sbr.rel @!p1 .LBB2_8-.Ltmp1, $4  }
0x1c: {  	[hbm:s8], [sflag:s12] =	dma.local [spmem:s13], $0x2800  }
0x1d: {  	_ =	swait.ge [sflag:s10], $0x2800  }
0x1e: {  	[sflag:s10] =	ssyncset.done $0x0  }
0x1f: {  	[sflag:s10] =	ssyncadd.s32 $0xFFFFD800  }
.LBB2_1:
0x20: {  	[tilespmem:s3], [sflag:$0x2] =	stream.linear.gather [hbm4b:s6+s3], $0x3400, $0x38;
	[tilespmem:$0x1E800] =	vst v63  }
0x21: {  	_ =	swait.ge [sflag:s10], $0x3400  }
0x22: {  	[sflag:s10] =	ssyncset.done $0x0  }
0x23: {  	[sflag:s10] =	ssyncadd.s32 $0xFFFFCC00  }
0x24: {  	[tilespmem:s11], [sflag:$0x2] =	stream.linear.gather [hbm4b:s7+s3], $0x3400, $0x38;
	[tilespmem:$0x1E800] =	vst v63  }
0x25: {  	_ =	swait.ge [sflag:s10], $0x3400  }
0x26: {  	[sflag:s10] =	ssyncset.done $0x0  }
0x27: {  	[sflag:s10] =	ssyncadd.s32 $0xFFFFCC00  }
0x28: {  	[spmem:s13], [sflag:s12] =	dma.local [hbm:s5], $0x2800  }
0x29: {  	_ =	swait.ge [sflag:s10], $0x2800  }
0x2a: {  	[sflag:s10] =	ssyncset.done $0x0  }
0x2b: {  	[sflag:s10] =	ssyncadd.s32 $0xFFFFD800  }
0x2c: {  	s18 =	simm.s32 $0x0;
	[bflag:$0x0] =	sbarrier.arrive $0xFFFF  }
0x2d: {  	[tilespmem:s15], [sflag:$0x1] =	stream.indirect.gather [hbm4b:s4+s14], $0x80, s18, s14, $0xb8;
	[tilespmem:$0x1E800] =	vst v63  }
0x2e: {  	_ =	swait.ge [sflag:s16], $0x4000  }
0x2f: {  	[sflag:s16] =	ssyncset.done $0x0  }
0x30: {  	s31 =	simm.s32 $0x3400;
	[sflag:s16] =	ssyncadd.s32 $0xFFFFC000  }
0x31: {  	[spmem:s2] =	stream.indirect.scatter.add.f32 [tilespmem:s15], [sflag:$0x2], $0x80, s31, s14, $0xb8;
	[tilespmem:$0x1E800] =	vst v63  }
0x32: {  	_ =	swait.ge [sflag:s10], $0x4000  }
0x33: {  	s19 =	simm.s32 $0x400;
	s18 =	simm.s32 $0x200;
	[sflag:s10] =	ssyncset.done $0x0  }
.LBB2_2:
0x34: {  	s20 =	sshra.s32 s18, $0x2  }
0x35: {  	[sflag:s10] =	ssyncadd.s32 $0xFFFFC000;
	s18 =	smov.u32 s19;
	s21 =	sadd.s32 $0x200, s19  }
0x36: {  	[tilespmem:s15], [sflag:$0x1] =	stream.indirect.gather [hbm4b:s4+s14], $0x80, s20, s14, $0xb8;
	[tilespmem:$0x1E800] =	vst v63  }
0x37: {  	p1 =	sne.s32 s19, $0x6E00;
	_ =	swait.ge [sflag:s16], $0x4000  }
.Ltmp2:
0x38: {  	[sflag:s16] =	ssyncset.done $0x0;
	(pc) =	sbr.rel @p1 .LBB2_2-.Ltmp2, $4  }
0x39: {  	s19 =	sadd.s32 $0x3400, s20;
	[sflag:s16] =	ssyncadd.s32 $0xFFFFC000  }
0x3a: {  	[spmem:s2] =	stream.indirect.scatter.add.f32 [tilespmem:s15], [sflag:$0x2], $0x80, s19, s14, $0xb8;
	[tilespmem:$0x1E800] =	vst v63  }
0x3b: {  	_ =	swait.ge [sflag:s10], $0x4000  }
0x3c: {  	s19 =	smov.u32 s21;
	[sflag:s10] =	ssyncset.done $0x0  }
0x3d: {  	s18 =	sshra.s32 s18, $0x2;
	[sflag:s10] =	ssyncadd.s32 $0xFFFFC000  }
0x3e: {  	[tilespmem:s15], [sflag:$0x1] =	stream.indirect.gather [hbm4b:s4+s14], $0x80, s18, s14, $0xb8;
	[tilespmem:$0x1E800] =	vst v63  }
0x3f: {  	_ =	swait.ge [sflag:s16], $0x4000  }
0x40: {  	[sflag:s16] =	ssyncset.done $0x0  }
.Ltmp3:
0x41: {  	s18 =	sadd.s32 $0x3400, s18;
	[sflag:s16] =	ssyncadd.s32 $0xFFFFC000;
	(pc) =	sbr.rel @p0 .LBB2_7-.Ltmp3, $4  }
0x42: {  	[spmem:s2] =	stream.indirect.scatter.add.f32 [tilespmem:s15], [sflag:$0x2], $0x80, s18, s14, $0xb8;
	[tilespmem:$0x1E800] =	vst v63  }
0x43: {  	_ =	swait.ge [sflag:s10], $0x4000  }
0x44: {  	[sflag:s10] =	ssyncset.done $0x0  }
0x45: {  	[sflag:s10] =	ssyncadd.s32 $0xFFFFC000  }
0x46: {  	s18 =	simm.s32 $0x1C00  }
0x47: {  	[tilespmem:s15], [sflag:$0x1] =	stream.indirect.gather [hbm4b:s4+s14], $0x80, s18, s14, $0xb8;
	[tilespmem:$0x1E800] =	vst v63  }
0x48: {  	_ =	swait.ge [sflag:s16], $0x4000  }
0x49: {  	[sflag:s16] =	ssyncset.done $0x0  }
0x4a: {  	s31 =	simm.s32 $0x5000;
	[sflag:s16] =	ssyncadd.s32 $0xFFFFC000  }
0x4b: {  	[spmem:s2] =	stream.indirect.scatter.add.f32 [tilespmem:s15], [sflag:$0x2], $0x80, s31, s14, $0xb8;
	[tilespmem:$0x1E800] =	vst v63  }
0x4c: {  	_ =	swait.ge [sflag:s10], $0x4000  }
0x4d: {  	s19 =	simm.s32 $0x400;
	s18 =	simm.s32 $0x80;
	[sflag:s10] =	ssyncset.done $0x0  }
.LBB2_5:
0x4e: {  	s20 =	sadd.s32 $0x1C00, s18  }
0x4f: {  	[sflag:s10] =	ssyncadd.s32 $0xFFFFC000;
	s21 =	smov.u32 s19;
	s22 =	sadd.s32 $0x200, s19  }
0x50: {  	[tilespmem:s15], [sflag:$0x1] =	stream.indirect.gather [hbm4b:s4+s14], $0x80, s20, s14, $0xb8;
	[tilespmem:$0x1E800] =	vst v63  }
0x51: {  	p1 =	sne.s32 s19, $0x5E00;
	_ =	swait.ge [sflag:s16], $0x4000  }
.Ltmp4:
0x52: {  	[sflag:s16] =	ssyncset.done $0x0;
	(pc) =	sbr.rel @p1 .LBB2_5-.Ltmp4, $4  }
0x53: {  	s18 =	sadd.s32 $0x5000, s18;
	[sflag:s16] =	ssyncadd.s32 $0xFFFFC000  }
0x54: {  	[spmem:s2] =	stream.indirect.scatter.add.f32 [tilespmem:s15], [sflag:$0x2], $0x80, s18, s14, $0xb8;
	[tilespmem:$0x1E800] =	vst v63  }
0x55: {  	_ =	swait.ge [sflag:s10], $0x4000  }
0x56: {  	s19 =	smov.u32 s22;
	s18 =	sshra.s32 s21, $0x2;
	[sflag:s10] =	ssyncset.done $0x0  }
.Ltmp5:
0x57: {  	_ = 	snop;
	(pc) =	sbr.rel .LBB2_6-.Ltmp5, $1  }
0x58: {  	_ =	sdelay $0x3  }
.LBB2_8:
0x59: {  	_ =	sfence.sel $0x180000  }
0x5a: {  	[bflag:$0x0] =	sbarrier.arrive $0xFFFF  }
0x5b: {  	p0 =	sne.s32 s0, $0x0;
	_ =	strace $0x90000050  }
0x5c: {  	s0 =	sadd.s32 @!p0 $0x100000, s1;
	[bflag:$0x2] =	sbarrier.arrive $0xFFFF  }
0x5d: {  	[sflag:s0] =	ssyncadd.tile.s32 @!p0 $0x1;
	_ =	shalt  }
.Lfunc_end2:
_tile_overlayer_lowered:
.L_overlay_start_2:
0x5e: {  	(tag) =	ssettag $0x2  }
0x5f: {  	s0 =	rddreg [dreg:$0x0];
	s2 =	stileid.u32  }
0x60: {  	s1 =	rddreg [dreg:$0x1];
	p0 =	sne.s32 s2, $0x0  }
0x61: {  	s3 =	rddreg [dreg:$0x2];
	[bflag:$0x3] =	sbarrier.arrive $0xFFFF;
	s2 =	simm.s32 @!p0 $0x1C02  }
0x62: {  	[timem:s3], [sflag:s2] =	dma.local @!p0 [hbm:s0], s1  }
0x63: {  	s0 =	simm.s32 @!p0 $0x2  }
0x64: {  	_ =	swait.ge @!p0 [sflag:s0], s1  }
0x65: {  	s1 =	ssub.s32 @!p0 $0x0, s1;
	[sflag:s0] =	ssyncset.done @!p0 $0x0  }
0x66: {  	[sflag:s0] =	ssyncadd.s32 @!p0 s1  }
0x67: {  	[bflag:$0x3] =	sbarrier.arrive $0xFFFF  }
0x68: {  	_ =	shalt  }

</sc_bundles>
